<compile_context>
chip_gen: v7x
topology: tpu7x:2x2x1
jax: 0.10.2.dev20260603
libtpu: 0.0.44.dev20260713+nightly
codegen_flags: <defaults>
</compile_context>

<pallas_src>
import functools

import jax
import jax.numpy as jnp
from jax import lax
from jax.experimental import pallas as pl
from jax.experimental.pallas import tpu as pltpu
from jax.experimental.pallas import tpu_sc as plsc

_NC = 2
_NS = 16
_NW = _NC * _NS
_CHUNK = 80
_NBUF = 5
_DELAY = 2
_IPRE = 3


@functools.partial(jax.jit, static_argnums=(2, 3, 4))
def _sc_gather(encodings, idx, n_chunks, n_per_w, d):
    total = _NW * n_per_w
    n_groups = n_chunks // _NBUF
    n_rows = encodings.shape[0]

    @functools.partial(
        pl.kernel,
        mesh=plsc.VectorSubcoreMesh(core_axis_name="c", subcore_axis_name="s"),
        out_type=jax.ShapeDtypeStruct((total, d), jnp.float32),
        scratch_types=[
            pltpu.VMEM((_NBUF, _CHUNK), jnp.int32),
            pltpu.VMEM((_NBUF, _CHUNK, d), jnp.float32),
            pltpu.VMEM_SHARED((n_rows, d), jnp.float32),
        ]
        + [pltpu.SemaphoreType.DMA] * (3 * _NBUF),
    )
    def k(table_hbm, idx_hbm, out_hbm, idx_v, rows_v, table_sh, *sems):
        isems = sems[:_NBUF]
        gsems = sems[_NBUF:2 * _NBUF]
        ssems = sems[2 * _NBUF:]
        sid = lax.axis_index("s")
        wid = sid * _NC + lax.axis_index("c")

        piece = n_rows // _NS
        rem = n_rows - piece * _NS

        @pl.when(sid < _NS - 1)
        def _():
            pltpu.sync_copy(
                table_hbm.at[pl.ds(sid * piece, piece)],
                table_sh.at[pl.ds(sid * piece, piece)])

        @pl.when(sid == _NS - 1)
        def _():
            pltpu.sync_copy(
                table_hbm.at[pl.ds((_NS - 1) * piece, piece + rem)],
                table_sh.at[pl.ds((_NS - 1) * piece, piece + rem)])

        ibase = wid * n_chunks
        obase = wid * n_per_w

        def icopy(j, b):
            return pltpu.make_async_copy(
                idx_hbm.at[ibase + j], idx_v.at[b], isems[b])

        def gcopy(b):
            return pltpu.make_async_copy(
                table_sh.at[idx_v.at[b]], rows_v.at[b], gsems[b])

        def scopy(j, b):
            return pltpu.make_async_copy(
                rows_v.at[b],
                out_hbm.at[pl.ds(obase + j * _CHUNK, _CHUNK)],
                ssems[b])

        for j in range(_IPRE):
            icopy(j, j % _NBUF).start()

        plsc.subcore_barrier()

        assert _IPRE + _DELAY == _NBUF

        def step(j, b):
            is_int = isinstance(j, int)
            if (not is_int) or j - _NBUF >= 0:
                scopy(j - _NBUF, b).wait()
            icopy(j, b).wait()
            gcopy(b).start()
            jo, bo = j - _DELAY, (b - _DELAY) % _NBUF
            if (not is_int) or jo >= 0:
                gcopy(bo).wait()
                scopy(jo, bo).start()
            if (not is_int) or j + _IPRE < n_chunks:
                icopy(j + _IPRE, (b + _IPRE) % _NBUF).start()

        for j in range(_NBUF):
            step(j, j % _NBUF)

        def body(i, carry):
            for b in range(_NBUF):
                step(i * _NBUF + b, b)
            return carry

        lax.fori_loop(1, n_groups - 1, body, 0)

        for j in range((n_groups - 1) * _NBUF, n_chunks):
            step(j, j % _NBUF)

        for t in range(n_chunks - _DELAY, n_chunks):
            gcopy(t % _NBUF).wait()
            scopy(t, t % _NBUF).start()
        for t in range(n_chunks - _NBUF, n_chunks):
            scopy(t, t % _NBUF).wait()

    return k(encodings, idx)


def kernel(input_seqs, encodings):
    batch, seq = input_seqs.shape
    d = encodings.shape[1]
    total = batch * seq
    n_per_w = total // _NW
    n_chunks = n_per_w // _CHUNK
    idx = input_seqs.reshape(_NW * n_chunks, _CHUNK)
    out = _sc_gather(encodings, idx, n_chunks, n_per_w, d)
    return out.reshape(batch, seq, d)

# --- scband reference (transcript-rebuilt; emitter-appended) ---
"""Pipeline reference for scband-arbitrary-positional-encoder-49529562857789 (READ-ONLY COPY).

The authoritative reference and input builder live on the scoring server;
editing this copy changes nothing except your own understanding.
"""

import jax, jax.numpy as jnp
import numpy as np
import math


def _get_sinusoidal_encoding(max_seq_len, d_emb):
    position = np.arange(max_seq_len, dtype=np.float32)[:, None]
    div_term = np.exp(np.arange(0, d_emb, 2, dtype=np.float32) * -(math.log(10000.0) / d_emb))
    encoding = np.zeros((max_seq_len, d_emb), dtype=np.float32)
    encoding[:, 0::2] = np.sin(position * div_term)
    encoding[:, 1::2] = np.cos(position * div_term)
    return jnp.asarray(encoding)


def setup_inputs(seed: int = 0) -> dict:
    key = jax.random.key(seed)
    max_pos_len = 8192
    d_emb = 128
    batch = 4096
    seq = 200
    k1, _ = jax.random.split(key)
    input_seqs = jax.random.randint(k1, (batch, seq), 0, max_pos_len, dtype=jnp.int64 if jax.config.jax_enable_x64 else jnp.int32).astype(jnp.int32)
    encodings = _get_sinusoidal_encoding(max_pos_len + 1, d_emb)
    return {"input_seqs": input_seqs, "encodings": encodings}


def reference(input_seqs, encodings):
    # torch.stack([self.encodings[idx] for idx in input_seqs]) is a batched row-gather
    return jnp.take(encodings, input_seqs, axis=0)

if __name__ == "__main__":
    import jax
    _d = setup_inputs()
    print(jax.jit(kernel)(*tuple(_d.values())))

</pallas_src>

<mosaic_0001>
#map = affine_map<(d0, d1) -> (0, 0)>
module attributes {stable_mosaic.version = 14 : i64} {
  func.func @k(%arg0: i32, %arg1: i32, %arg2: memref<8193x128xf32, #tpu.memory_space<hbm>>, %arg3: memref<10240x80xi32, #tpu.memory_space<hbm>>, %arg4: memref<819200x128xf32, #tpu.memory_space<hbm>>, %arg5: memref<5x80xi32, #tpu.memory_space<vmem>>, %arg6: memref<5x80x128xf32, #tpu.memory_space<vmem>>, %arg7: memref<8193x128xf32, #tpu.memory_space<vmem_shared>>, %arg8: memref<!tpu.dma_semaphore, #tpu.memory_space<semaphore_mem>>, %arg9: memref<!tpu.dma_semaphore, #tpu.memory_space<semaphore_mem>>, %arg10: memref<!tpu.dma_semaphore, #tpu.memory_space<semaphore_mem>>, %arg11: memref<!tpu.dma_semaphore, #tpu.memory_space<semaphore_mem>>, %arg12: memref<!tpu.dma_semaphore, #tpu.memory_space<semaphore_mem>>, %arg13: memref<!tpu.dma_semaphore, #tpu.memory_space<semaphore_mem>>, %arg14: memref<!tpu.dma_semaphore, #tpu.memory_space<semaphore_mem>>, %arg15: memref<!tpu.dma_semaphore, #tpu.memory_space<semaphore_mem>>, %arg16: memref<!tpu.dma_semaphore, #tpu.memory_space<semaphore_mem>>, %arg17: memref<!tpu.dma_semaphore, #tpu.memory_space<semaphore_mem>>, %arg18: memref<!tpu.dma_semaphore, #tpu.memory_space<semaphore_mem>>, %arg19: memref<!tpu.dma_semaphore, #tpu.memory_space<semaphore_mem>>, %arg20: memref<!tpu.dma_semaphore, #tpu.memory_space<semaphore_mem>>, %arg21: memref<!tpu.dma_semaphore, #tpu.memory_space<semaphore_mem>>, %arg22: memref<!tpu.dma_semaphore, #tpu.memory_space<semaphore_mem>>) attributes {dimension_semantics = [#tpu.dimension_semantics<core_parallel>, #tpu.dimension_semantics<subcore_parallel>], iteration_bounds = array<i64: 2, 16>, scalar_prefetch = 0 : i64, scratch_operands = 18 : i64, tpu.core_type = #tpu.core_type<sc_vector_subcore>, window_params = [{transform_indices = #map}, {transform_indices = #map}, {transform_indices = #map}]} {
    %mul3A = arith.constant 2 : i32
    %mul3A_0 = arith.muli %arg1, %mul3A : i32
    %add3A = arith.addi %mul3A_0, %arg0 : i32
    %lt3A = arith.constant 15 : i32
    %lt3A_1 = arith.cmpi slt, %arg1, %lt3A : i32
    %convert_element_type3A = arith.extui %lt3A_1 : i1 to i32
    %cond3A = arith.constant 0 : i32
    %cond3A_2 = arith.cmpi ne, %convert_element_type3A, %cond3A : i32
    scf.if %cond3A_2 {
      %mul3A_854 = arith.constant 512 : i32
      %mul3A_855 = arith.muli %arg1, %mul3A_854 : i32
      %mul3A_856 = arith.constant 512 : i32
      %mul3A_857 = arith.muli %arg1, %mul3A_856 : i32
      "tpu.region"() ({
        %run_scoped3A = tpu.sem_alloc : memref<!tpu.dma_semaphore, #tpu.memory_space<semaphore_mem>>
        %dma_start3A_858 = arith.constant 0 : i32
        %dma_start3A_859 = tpu.memref_slice %arg7[%mul3A_857, %dma_start3A_858] : memref<8193x128xf32, #tpu.memory_space<vmem_shared>> -> memref<512x128xf32, #tpu.memory_space<vmem_shared>>
        %dma_start3A_860 = arith.constant 0 : i32
        %dma_start3A_861 = tpu.memref_slice %arg2[%mul3A_855, %dma_start3A_860] : memref<8193x128xf32, #tpu.memory_space<hbm>> -> memref<512x128xf32, #tpu.memory_space<hbm>>
        tpu.enqueue_dma source(%dma_start3A_861 : memref<512x128xf32, #tpu.memory_space<hbm>>) target(%dma_start3A_859 : memref<512x128xf32, #tpu.memory_space<vmem_shared>>) target_semaphore(%run_scoped3A : memref<!tpu.dma_semaphore, #tpu.memory_space<semaphore_mem>>)
        %dma_wait3A_862 = arith.constant 0 : i32
        %dma_wait3A_863 = tpu.memref_slice %arg7[%mul3A_857, %dma_wait3A_862] : memref<8193x128xf32, #tpu.memory_space<vmem_shared>> -> memref<512x128xf32, #tpu.memory_space<vmem_shared>>
        %dma_wait3A_864 = arith.constant 0 : i32
        %dma_wait3A_865 = tpu.memref_slice %arg2[%mul3A_855, %dma_wait3A_864] : memref<8193x128xf32, #tpu.memory_space<hbm>> -> memref<512x128xf32, #tpu.memory_space<hbm>>
        tpu.wait_dma2 semaphore(%run_scoped3A : memref<!tpu.dma_semaphore, #tpu.memory_space<semaphore_mem>>) src(%dma_wait3A_865 : memref<512x128xf32, #tpu.memory_space<hbm>>) dst(%dma_wait3A_863 : memref<512x128xf32, #tpu.memory_space<vmem_shared>>)
        tpu.yield
      }) : () -> ()
    } else {
    }
    %eq3A = arith.constant 15 : i32
    %eq3A_3 = arith.cmpi eq, %arg1, %eq3A : i32
    %convert_element_type3A_4 = arith.extui %eq3A_3 : i1 to i32
    %cond3A_5 = arith.constant 0 : i32
    %cond3A_6 = arith.cmpi ne, %convert_element_type3A_4, %cond3A_5 : i32
    scf.if %cond3A_6 {
      "tpu.region"() ({
        %run_scoped3A = tpu.sem_alloc : memref<!tpu.dma_semaphore, #tpu.memory_space<semaphore_mem>>
        %dma_start3A_854 = arith.constant 7680 : i32
        %dma_start3A_855 = arith.constant 0 : i32
        %dma_start3A_856 = tpu.memref_slice %arg7[%dma_start3A_854, %dma_start3A_855] : memref<8193x128xf32, #tpu.memory_space<vmem_shared>> -> memref<513x128xf32, #tpu.memory_space<vmem_shared>>
        %dma_start3A_857 = arith.constant 7680 : i32
        %dma_start3A_858 = arith.constant 0 : i32
        %dma_start3A_859 = tpu.memref_slice %arg2[%dma_start3A_857, %dma_start3A_858] : memref<8193x128xf32, #tpu.memory_space<hbm>> -> memref<513x128xf32, #tpu.memory_space<hbm>>
        tpu.enqueue_dma source(%dma_start3A_859 : memref<513x128xf32, #tpu.memory_space<hbm>>) target(%dma_start3A_856 : memref<513x128xf32, #tpu.memory_space<vmem_shared>>) target_semaphore(%run_scoped3A : memref<!tpu.dma_semaphore, #tpu.memory_space<semaphore_mem>>)
        %dma_wait3A_860 = arith.constant 7680 : i32
        %dma_wait3A_861 = arith.constant 0 : i32
        %dma_wait3A_862 = tpu.memref_slice %arg7[%dma_wait3A_860, %dma_wait3A_861] : memref<8193x128xf32, #tpu.memory_space<vmem_shared>> -> memref<513x128xf32, #tpu.memory_space<vmem_shared>>
        %dma_wait3A_863 = arith.constant 7680 : i32
        %dma_wait3A_864 = arith.constant 0 : i32
        %dma_wait3A_865 = tpu.memref_slice %arg2[%dma_wait3A_863, %dma_wait3A_864] : memref<8193x128xf32, #tpu.memory_space<hbm>> -> memref<513x128xf32, #tpu.memory_space<hbm>>
        tpu.wait_dma2 semaphore(%run_scoped3A : memref<!tpu.dma_semaphore, #tpu.memory_space<semaphore_mem>>) src(%dma_wait3A_865 : memref<513x128xf32, #tpu.memory_space<hbm>>) dst(%dma_wait3A_862 : memref<513x128xf32, #tpu.memory_space<vmem_shared>>)
        tpu.yield
      }) : () -> ()
    } else {
    }
    %mul3A_7 = arith.constant 320 : i32
    %mul3A_8 = arith.muli %add3A, %mul3A_7 : i32
    %mul3A_9 = arith.constant 25600 : i32
    %mul3A_10 = arith.muli %add3A, %mul3A_9 : i32
    %add3A_11 = arith.constant 0 : i32
    %add3A_12 = arith.addi %mul3A_8, %add3A_11 : i32
    %dma_start3A = arith.constant 0 : i32
    %dma_start3A_13 = arith.constant 0 : i32
    %dma_start3A_14 = tpu.memref_slice %arg5[%dma_start3A, %dma_start3A_13] : memref<5x80xi32, #tpu.memory_space<vmem>> -> memref<1x80xi32, #tpu.memory_space<vmem>>
    %dma_start3A_15 = tpu.memref_squeeze %dma_start3A_14 : memref<1x80xi32, #tpu.memory_space<vmem>> -> memref<80xi32, #tpu.memory_space<vmem>>
    %dma_start3A_16 = arith.constant 0 : i32
    %dma_start3A_17 = tpu.memref_slice %arg3[%add3A_12, %dma_start3A_16] : memref<10240x80xi32, #tpu.memory_space<hbm>> -> memref<1x80xi32, #tpu.memory_space<hbm>>
    %dma_start3A_18 = tpu.memref_squeeze %dma_start3A_17 : memref<1x80xi32, #tpu.memory_space<hbm>> -> memref<80xi32, #tpu.memory_space<hbm>>
    %dma_start3A_19 = arith.constant 0 : i32
    %dma_start3A_20 = tpu.memref_slice %arg5[%dma_start3A, %dma_start3A_19] : memref<5x80xi32, #tpu.memory_space<vmem>> -> memref<1x80xi32, #tpu.memory_space<vmem>>
    %dma_start3A_21 = tpu.memref_squeeze %dma_start3A_20 : memref<1x80xi32, #tpu.memory_space<vmem>> -> memref<80xi32, #tpu.memory_space<vmem>>
    %dma_start3A_22 = arith.constant 0 : i32
    %dma_start3A_23 = tpu.memref_slice %arg3[%add3A_12, %dma_start3A_22] : memref<10240x80xi32, #tpu.memory_space<hbm>> -> memref<1x80xi32, #tpu.memory_space<hbm>>
    %dma_start3A_24 = tpu.memref_squeeze %dma_start3A_23 : memref<1x80xi32, #tpu.memory_space<hbm>> -> memref<80xi32, #tpu.memory_space<hbm>>
    tpu.enqueue_dma source(%dma_start3A_24 : memref<80xi32, #tpu.memory_space<hbm>>) target(%dma_start3A_21 : memref<80xi32, #tpu.memory_space<vmem>>) target_semaphore(%arg8 : memref<!tpu.dma_semaphore, #tpu.memory_space<semaphore_mem>>)
    %add3A_25 = arith.constant 1 : i32
    %add3A_26 = arith.addi %mul3A_8, %add3A_25 : i32
    %dma_start3A_27 = arith.constant 1 : i32
    %dma_start3A_28 = arith.constant 0 : i32
    %dma_start3A_29 = tpu.memref_slice %arg5[%dma_start3A_27, %dma_start3A_28] : memref<5x80xi32, #tpu.memory_space<vmem>> -> memref<1x80xi32, #tpu.memory_space<vmem>>
    %dma_start3A_30 = tpu.memref_squeeze %dma_start3A_29 : memref<1x80xi32, #tpu.memory_space<vmem>> -> memref<80xi32, #tpu.memory_space<vmem>>
    %dma_start3A_31 = arith.constant 0 : i32
    %dma_start3A_32 = tpu.memref_slice %arg3[%add3A_26, %dma_start3A_31] : memref<10240x80xi32, #tpu.memory_space<hbm>> -> memref<1x80xi32, #tpu.memory_space<hbm>>
    %dma_start3A_33 = tpu.memref_squeeze %dma_start3A_32 : memref<1x80xi32, #tpu.memory_space<hbm>> -> memref<80xi32, #tpu.memory_space<hbm>>
    %dma_start3A_34 = arith.constant 0 : i32
    %dma_start3A_35 = tpu.memref_slice %arg5[%dma_start3A_27, %dma_start3A_34] : memref<5x80xi32, #tpu.memory_space<vmem>> -> memref<1x80xi32, #tpu.memory_space<vmem>>
    %dma_start3A_36 = tpu.memref_squeeze %dma_start3A_35 : memref<1x80xi32, #tpu.memory_space<vmem>> -> memref<80xi32, #tpu.memory_space<vmem>>
    %dma_start3A_37 = arith.constant 0 : i32
    %dma_start3A_38 = tpu.memref_slice %arg3[%add3A_26, %dma_start3A_37] : memref<10240x80xi32, #tpu.memory_space<hbm>> -> memref<1x80xi32, #tpu.memory_space<hbm>>
    %dma_start3A_39 = tpu.memref_squeeze %dma_start3A_38 : memref<1x80xi32, #tpu.memory_space<hbm>> -> memref<80xi32, #tpu.memory_space<hbm>>
    tpu.enqueue_dma source(%dma_start3A_39 : memref<80xi32, #tpu.memory_space<hbm>>) target(%dma_start3A_36 : memref<80xi32, #tpu.memory_space<vmem>>) target_semaphore(%arg9 : memref<!tpu.dma_semaphore, #tpu.memory_space<semaphore_mem>>)
    %add3A_40 = arith.constant 2 : i32
    %add3A_41 = arith.addi %mul3A_8, %add3A_40 : i32
    %dma_start3A_42 = arith.constant 2 : i32
    %dma_start3A_43 = arith.constant 0 : i32
    %dma_start3A_44 = tpu.memref_slice %arg5[%dma_start3A_42, %dma_start3A_43] : memref<5x80xi32, #tpu.memory_space<vmem>> -> memref<1x80xi32, #tpu.memory_space<vmem>>
    %dma_start3A_45 = tpu.memref_squeeze %dma_start3A_44 : memref<1x80xi32, #tpu.memory_space<vmem>> -> memref<80xi32, #tpu.memory_space<vmem>>
    %dma_start3A_46 = arith.constant 0 : i32
    %dma_start3A_47 = tpu.memref_slice %arg3[%add3A_41, %dma_start3A_46] : memref<10240x80xi32, #tpu.memory_space<hbm>> -> memref<1x80xi32, #tpu.memory_space<hbm>>
    %dma_start3A_48 = tpu.memref_squeeze %dma_start3A_47 : memref<1x80xi32, #tpu.memory_space<hbm>> -> memref<80xi32, #tpu.memory_space<hbm>>
    %dma_start3A_49 = arith.constant 0 : i32
    %dma_start3A_50 = tpu.memref_slice %arg5[%dma_start3A_42, %dma_start3A_49] : memref<5x80xi32, #tpu.memory_space<vmem>> -> memref<1x80xi32, #tpu.memory_space<vmem>>
    %dma_start3A_51 = tpu.memref_squeeze %dma_start3A_50 : memref<1x80xi32, #tpu.memory_space<vmem>> -> memref<80xi32, #tpu.memory_space<vmem>>
    %dma_start3A_52 = arith.constant 0 : i32
    %dma_start3A_53 = tpu.memref_slice %arg3[%add3A_41, %dma_start3A_52] : memref<10240x80xi32, #tpu.memory_space<hbm>> -> memref<1x80xi32, #tpu.memory_space<hbm>>
    %dma_start3A_54 = tpu.memref_squeeze %dma_start3A_53 : memref<1x80xi32, #tpu.memory_space<hbm>> -> memref<80xi32, #tpu.memory_space<hbm>>
    tpu.enqueue_dma source(%dma_start3A_54 : memref<80xi32, #tpu.memory_space<hbm>>) target(%dma_start3A_51 : memref<80xi32, #tpu.memory_space<vmem>>) target_semaphore(%arg10 : memref<!tpu.dma_semaphore, #tpu.memory_space<semaphore_mem>>)
    %barrier3A = arith.constant 0 : index
    tpu.barrier barrier_id(%barrier3A)
    %add3A_55 = arith.constant 0 : i32
    %add3A_56 = arith.addi %mul3A_8, %add3A_55 : i32
    %dma_wait3A = arith.constant 0 : i32
    %dma_wait3A_57 = arith.constant 0 : i32
    %dma_wait3A_58 = tpu.memref_slice %arg5[%dma_wait3A, %dma_wait3A_57] : memref<5x80xi32, #tpu.memory_space<vmem>> -> memref<1x80xi32, #tpu.memory_space<vmem>>
    %dma_wait3A_59 = tpu.memref_squeeze %dma_wait3A_58 : memref<1x80xi32, #tpu.memory_space<vmem>> -> memref<80xi32, #tpu.memory_space<vmem>>
    %dma_wait3A_60 = arith.constant 0 : i32
    %dma_wait3A_61 = tpu.memref_slice %arg3[%add3A_56, %dma_wait3A_60] : memref<10240x80xi32, #tpu.memory_space<hbm>> -> memref<1x80xi32, #tpu.memory_space<hbm>>
    %dma_wait3A_62 = tpu.memref_squeeze %dma_wait3A_61 : memref<1x80xi32, #tpu.memory_space<hbm>> -> memref<80xi32, #tpu.memory_space<hbm>>
    %dma_wait3A_63 = arith.constant 0 : i32
    %dma_wait3A_64 = tpu.memref_slice %arg5[%dma_wait3A, %dma_wait3A_63] : memref<5x80xi32, #tpu.memory_space<vmem>> -> memref<1x80xi32, #tpu.memory_space<vmem>>
    %dma_wait3A_65 = tpu.memref_squeeze %dma_wait3A_64 : memref<1x80xi32, #tpu.memory_space<vmem>> -> memref<80xi32, #tpu.memory_space<vmem>>
    %dma_wait3A_66 = arith.constant 0 : i32
    %dma_wait3A_67 = tpu.memref_slice %arg3[%add3A_56, %dma_wait3A_66] : memref<10240x80xi32, #tpu.memory_space<hbm>> -> memref<1x80xi32, #tpu.memory_space<hbm>>
    %dma_wait3A_68 = tpu.memref_squeeze %dma_wait3A_67 : memref<1x80xi32, #tpu.memory_space<hbm>> -> memref<80xi32, #tpu.memory_space<hbm>>
    tpu.wait_dma2 semaphore(%arg8 : memref<!tpu.dma_semaphore, #tpu.memory_space<semaphore_mem>>) src(%dma_wait3A_68 : memref<80xi32, #tpu.memory_space<hbm>>) dst(%dma_wait3A_65 : memref<80xi32, #tpu.memory_space<vmem>>)
    %dma_start3A_69 = arith.constant 0 : i32
    %dma_start3A_70 = arith.constant 0 : i32
    %dma_start3A_71 = arith.constant 0 : i32
    %dma_start3A_72 = arith.constant 0 : i32
    %dma_start3A_73 = tpu.memref_slice %arg6[%dma_start3A_70, %dma_start3A_71, %dma_start3A_72] : memref<5x80x128xf32, #tpu.memory_space<vmem>> -> memref<1x80x128xf32, #tpu.memory_space<vmem>>
    %dma_start3A_74 = tpu.memref_squeeze %dma_start3A_73 : memref<1x80x128xf32, #tpu.memory_space<vmem>> -> memref<80x128xf32, #tpu.memory_space<vmem>>
    %dma_start3A_75 = arith.constant 0 : i32
    %dma_start3A_76 = tpu.memref_slice %arg5[%dma_start3A_69, %dma_start3A_75] : memref<5x80xi32, #tpu.memory_space<vmem>> -> memref<1x80xi32, #tpu.memory_space<vmem>>
    %dma_start3A_77 = tpu.memref_squeeze %dma_start3A_76 : memref<1x80xi32, #tpu.memory_space<vmem>> -> memref<80xi32, #tpu.memory_space<vmem>>
    %dma_start3A_78 = arith.constant 0 : i32
    %dma_start3A_79 = arith.constant 0 : i32
    %dma_start3A_80 = tpu.memref_slice %arg7[%dma_start3A_78, %dma_start3A_79] : memref<8193x128xf32, #tpu.memory_space<vmem_shared>> -> memref<8193x128xf32, #tpu.memory_space<vmem_shared>>
    tpu.enqueue_indirect_dma source(%dma_start3A_80 : memref<8193x128xf32, #tpu.memory_space<vmem_shared>>) target(%dma_start3A_74 : memref<80x128xf32, #tpu.memory_space<vmem>>) offsets(%dma_start3A_77 : memref<80xi32, #tpu.memory_space<vmem>>) semaphore(%arg13 : memref<!tpu.dma_semaphore, #tpu.memory_space<semaphore_mem>>)
    %add3A_81 = arith.constant 3 : i32
    %add3A_82 = arith.addi %mul3A_8, %add3A_81 : i32
    %dma_start3A_83 = arith.constant 3 : i32
    %dma_start3A_84 = arith.constant 0 : i32
    %dma_start3A_85 = tpu.memref_slice %arg5[%dma_start3A_83, %dma_start3A_84] : memref<5x80xi32, #tpu.memory_space<vmem>> -> memref<1x80xi32, #tpu.memory_space<vmem>>
    %dma_start3A_86 = tpu.memref_squeeze %dma_start3A_85 : memref<1x80xi32, #tpu.memory_space<vmem>> -> memref<80xi32, #tpu.memory_space<vmem>>
    %dma_start3A_87 = arith.constant 0 : i32
    %dma_start3A_88 = tpu.memref_slice %arg3[%add3A_82, %dma_start3A_87] : memref<10240x80xi32, #tpu.memory_space<hbm>> -> memref<1x80xi32, #tpu.memory_space<hbm>>
    %dma_start3A_89 = tpu.memref_squeeze %dma_start3A_88 : memref<1x80xi32, #tpu.memory_space<hbm>> -> memref<80xi32, #tpu.memory_space<hbm>>
    %dma_start3A_90 = arith.constant 0 : i32
    %dma_start3A_91 = tpu.memref_slice %arg5[%dma_start3A_83, %dma_start3A_90] : memref<5x80xi32, #tpu.memory_space<vmem>> -> memref<1x80xi32, #tpu.memory_space<vmem>>
    %dma_start3A_92 = tpu.memref_squeeze %dma_start3A_91 : memref<1x80xi32, #tpu.memory_space<vmem>> -> memref<80xi32, #tpu.memory_space<vmem>>
    %dma_start3A_93 = arith.constant 0 : i32
    %dma_start3A_94 = tpu.memref_slice %arg3[%add3A_82, %dma_start3A_93] : memref<10240x80xi32, #tpu.memory_space<hbm>> -> memref<1x80xi32, #tpu.memory_space<hbm>>
    %dma_start3A_95 = tpu.memref_squeeze %dma_start3A_94 : memref<1x80xi32, #tpu.memory_space<hbm>> -> memref<80xi32, #tpu.memory_space<hbm>>
    tpu.enqueue_dma source(%dma_start3A_95 : memref<80xi32, #tpu.memory_space<hbm>>) target(%dma_start3A_92 : memref<80xi32, #tpu.memory_space<vmem>>) target_semaphore(%arg11 : memref<!tpu.dma_semaphore, #tpu.memory_space<semaphore_mem>>)
    %add3A_96 = arith.constant 1 : i32
    %add3A_97 = arith.addi %mul3A_8, %add3A_96 : i32
    %dma_wait3A_98 = arith.constant 1 : i32
    %dma_wait3A_99 = arith.constant 0 : i32
    %dma_wait3A_100 = tpu.memref_slice %arg5[%dma_wait3A_98, %dma_wait3A_99] : memref<5x80xi32, #tpu.memory_space<vmem>> -> memref<1x80xi32, #tpu.memory_space<vmem>>
    %dma_wait3A_101 = tpu.memref_squeeze %dma_wait3A_100 : memref<1x80xi32, #tpu.memory_space<vmem>> -> memref<80xi32, #tpu.memory_space<vmem>>
    %dma_wait3A_102 = arith.constant 0 : i32
    %dma_wait3A_103 = tpu.memref_slice %arg3[%add3A_97, %dma_wait3A_102] : memref<10240x80xi32, #tpu.memory_space<hbm>> -> memref<1x80xi32, #tpu.memory_space<hbm>>
    %dma_wait3A_104 = tpu.memref_squeeze %dma_wait3A_103 : memref<1x80xi32, #tpu.memory_space<hbm>> -> memref<80xi32, #tpu.memory_space<hbm>>
    %dma_wait3A_105 = arith.constant 0 : i32
    %dma_wait3A_106 = tpu.memref_slice %arg5[%dma_wait3A_98, %dma_wait3A_105] : memref<5x80xi32, #tpu.memory_space<vmem>> -> memref<1x80xi32, #tpu.memory_space<vmem>>
    %dma_wait3A_107 = tpu.memref_squeeze %dma_wait3A_106 : memref<1x80xi32, #tpu.memory_space<vmem>> -> memref<80xi32, #tpu.memory_space<vmem>>
    %dma_wait3A_108 = arith.constant 0 : i32
    %dma_wait3A_109 = tpu.memref_slice %arg3[%add3A_97, %dma_wait3A_108] : memref<10240x80xi32, #tpu.memory_space<hbm>> -> memref<1x80xi32, #tpu.memory_space<hbm>>
    %dma_wait3A_110 = tpu.memref_squeeze %dma_wait3A_109 : memref<1x80xi32, #tpu.memory_space<hbm>> -> memref<80xi32, #tpu.memory_space<hbm>>
    tpu.wait_dma2 semaphore(%arg9 : memref<!tpu.dma_semaphore, #tpu.memory_space<semaphore_mem>>) src(%dma_wait3A_110 : memref<80xi32, #tpu.memory_space<hbm>>) dst(%dma_wait3A_107 : memref<80xi32, #tpu.memory_space<vmem>>)
    %dma_start3A_111 = arith.constant 1 : i32
    %dma_start3A_112 = arith.constant 1 : i32
    %dma_start3A_113 = arith.constant 0 : i32
    %dma_start3A_114 = arith.constant 0 : i32
    %dma_start3A_115 = tpu.memref_slice %arg6[%dma_start3A_112, %dma_start3A_113, %dma_start3A_114] : memref<5x80x128xf32, #tpu.memory_space<vmem>> -> memref<1x80x128xf32, #tpu.memory_space<vmem>>
    %dma_start3A_116 = tpu.memref_squeeze %dma_start3A_115 : memref<1x80x128xf32, #tpu.memory_space<vmem>> -> memref<80x128xf32, #tpu.memory_space<vmem>>
    %dma_start3A_117 = arith.constant 0 : i32
    %dma_start3A_118 = tpu.memref_slice %arg5[%dma_start3A_111, %dma_start3A_117] : memref<5x80xi32, #tpu.memory_space<vmem>> -> memref<1x80xi32, #tpu.memory_space<vmem>>
    %dma_start3A_119 = tpu.memref_squeeze %dma_start3A_118 : memref<1x80xi32, #tpu.memory_space<vmem>> -> memref<80xi32, #tpu.memory_space<vmem>>
    %dma_start3A_120 = arith.constant 0 : i32
    %dma_start3A_121 = arith.constant 0 : i32
    %dma_start3A_122 = tpu.memref_slice %arg7[%dma_start3A_120, %dma_start3A_121] : memref<8193x128xf32, #tpu.memory_space<vmem_shared>> -> memref<8193x128xf32, #tpu.memory_space<vmem_shared>>
    tpu.enqueue_indirect_dma source(%dma_start3A_122 : memref<8193x128xf32, #tpu.memory_space<vmem_shared>>) target(%dma_start3A_116 : memref<80x128xf32, #tpu.memory_space<vmem>>) offsets(%dma_start3A_119 : memref<80xi32, #tpu.memory_space<vmem>>) semaphore(%arg14 : memref<!tpu.dma_semaphore, #tpu.memory_space<semaphore_mem>>)
    %add3A_123 = arith.constant 4 : i32
    %add3A_124 = arith.addi %mul3A_8, %add3A_123 : i32
    %dma_start3A_125 = arith.constant 4 : i32
    %dma_start3A_126 = arith.constant 0 : i32
    %dma_start3A_127 = tpu.memref_slice %arg5[%dma_start3A_125, %dma_start3A_126] : memref<5x80xi32, #tpu.memory_space<vmem>> -> memref<1x80xi32, #tpu.memory_space<vmem>>
    %dma_start3A_128 = tpu.memref_squeeze %dma_start3A_127 : memref<1x80xi32, #tpu.memory_space<vmem>> -> memref<80xi32, #tpu.memory_space<vmem>>
    %dma_start3A_129 = arith.constant 0 : i32
    %dma_start3A_130 = tpu.memref_slice %arg3[%add3A_124, %dma_start3A_129] : memref<10240x80xi32, #tpu.memory_space<hbm>> -> memref<1x80xi32, #tpu.memory_space<hbm>>
    %dma_start3A_131 = tpu.memref_squeeze %dma_start3A_130 : memref<1x80xi32, #tpu.memory_space<hbm>> -> memref<80xi32, #tpu.memory_space<hbm>>
    %dma_start3A_132 = arith.constant 0 : i32
    %dma_start3A_133 = tpu.memref_slice %arg5[%dma_start3A_125, %dma_start3A_132] : memref<5x80xi32, #tpu.memory_space<vmem>> -> memref<1x80xi32, #tpu.memory_space<vmem>>
    %dma_start3A_134 = tpu.memref_squeeze %dma_start3A_133 : memref<1x80xi32, #tpu.memory_space<vmem>> -> memref<80xi32, #tpu.memory_space<vmem>>
    %dma_start3A_135 = arith.constant 0 : i32
    %dma_start3A_136 = tpu.memref_slice %arg3[%add3A_124, %dma_start3A_135] : memref<10240x80xi32, #tpu.memory_space<hbm>> -> memref<1x80xi32, #tpu.memory_space<hbm>>
    %dma_start3A_137 = tpu.memref_squeeze %dma_start3A_136 : memref<1x80xi32, #tpu.memory_space<hbm>> -> memref<80xi32, #tpu.memory_space<hbm>>
    tpu.enqueue_dma source(%dma_start3A_137 : memref<80xi32, #tpu.memory_space<hbm>>) target(%dma_start3A_134 : memref<80xi32, #tpu.memory_space<vmem>>) target_semaphore(%arg12 : memref<!tpu.dma_semaphore, #tpu.memory_space<semaphore_mem>>)
    %add3A_138 = arith.constant 2 : i32
    %add3A_139 = arith.addi %mul3A_8, %add3A_138 : i32
    %dma_wait3A_140 = arith.constant 2 : i32
    %dma_wait3A_141 = arith.constant 0 : i32
    %dma_wait3A_142 = tpu.memref_slice %arg5[%dma_wait3A_140, %dma_wait3A_141] : memref<5x80xi32, #tpu.memory_space<vmem>> -> memref<1x80xi32, #tpu.memory_space<vmem>>
    %dma_wait3A_143 = tpu.memref_squeeze %dma_wait3A_142 : memref<1x80xi32, #tpu.memory_space<vmem>> -> memref<80xi32, #tpu.memory_space<vmem>>
    %dma_wait3A_144 = arith.constant 0 : i32
    %dma_wait3A_145 = tpu.memref_slice %arg3[%add3A_139, %dma_wait3A_144] : memref<10240x80xi32, #tpu.memory_space<hbm>> -> memref<1x80xi32, #tpu.memory_space<hbm>>
    %dma_wait3A_146 = tpu.memref_squeeze %dma_wait3A_145 : memref<1x80xi32, #tpu.memory_space<hbm>> -> memref<80xi32, #tpu.memory_space<hbm>>
    %dma_wait3A_147 = arith.constant 0 : i32
    %dma_wait3A_148 = tpu.memref_slice %arg5[%dma_wait3A_140, %dma_wait3A_147] : memref<5x80xi32, #tpu.memory_space<vmem>> -> memref<1x80xi32, #tpu.memory_space<vmem>>
    %dma_wait3A_149 = tpu.memref_squeeze %dma_wait3A_148 : memref<1x80xi32, #tpu.memory_space<vmem>> -> memref<80xi32, #tpu.memory_space<vmem>>
    %dma_wait3A_150 = arith.constant 0 : i32
    %dma_wait3A_151 = tpu.memref_slice %arg3[%add3A_139, %dma_wait3A_150] : memref<10240x80xi32, #tpu.memory_space<hbm>> -> memref<1x80xi32, #tpu.memory_space<hbm>>
    %dma_wait3A_152 = tpu.memref_squeeze %dma_wait3A_151 : memref<1x80xi32, #tpu.memory_space<hbm>> -> memref<80xi32, #tpu.memory_space<hbm>>
    tpu.wait_dma2 semaphore(%arg10 : memref<!tpu.dma_semaphore, #tpu.memory_space<semaphore_mem>>) src(%dma_wait3A_152 : memref<80xi32, #tpu.memory_space<hbm>>) dst(%dma_wait3A_149 : memref<80xi32, #tpu.memory_space<vmem>>)
    %dma_start3A_153 = arith.constant 2 : i32
    %dma_start3A_154 = arith.constant 2 : i32
    %dma_start3A_155 = arith.constant 0 : i32
    %dma_start3A_156 = arith.constant 0 : i32
    %dma_start3A_157 = tpu.memref_slice %arg6[%dma_start3A_154, %dma_start3A_155, %dma_start3A_156] : memref<5x80x128xf32, #tpu.memory_space<vmem>> -> memref<1x80x128xf32, #tpu.memory_space<vmem>>
    %dma_start3A_158 = tpu.memref_squeeze %dma_start3A_157 : memref<1x80x128xf32, #tpu.memory_space<vmem>> -> memref<80x128xf32, #tpu.memory_space<vmem>>
    %dma_start3A_159 = arith.constant 0 : i32
    %dma_start3A_160 = tpu.memref_slice %arg5[%dma_start3A_153, %dma_start3A_159] : memref<5x80xi32, #tpu.memory_space<vmem>> -> memref<1x80xi32, #tpu.memory_space<vmem>>
    %dma_start3A_161 = tpu.memref_squeeze %dma_start3A_160 : memref<1x80xi32, #tpu.memory_space<vmem>> -> memref<80xi32, #tpu.memory_space<vmem>>
    %dma_start3A_162 = arith.constant 0 : i32
    %dma_start3A_163 = arith.constant 0 : i32
    %dma_start3A_164 = tpu.memref_slice %arg7[%dma_start3A_162, %dma_start3A_163] : memref<8193x128xf32, #tpu.memory_space<vmem_shared>> -> memref<8193x128xf32, #tpu.memory_space<vmem_shared>>
    tpu.enqueue_indirect_dma source(%dma_start3A_164 : memref<8193x128xf32, #tpu.memory_space<vmem_shared>>) target(%dma_start3A_158 : memref<80x128xf32, #tpu.memory_space<vmem>>) offsets(%dma_start3A_161 : memref<80xi32, #tpu.memory_space<vmem>>) semaphore(%arg15 : memref<!tpu.dma_semaphore, #tpu.memory_space<semaphore_mem>>)
    %dma_wait3A_165 = arith.constant 0 : i32
    %dma_wait3A_166 = arith.constant 0 : i32
    %dma_wait3A_167 = arith.constant 0 : i32
    %dma_wait3A_168 = arith.constant 0 : i32
    %dma_wait3A_169 = tpu.memref_slice %arg6[%dma_wait3A_166, %dma_wait3A_167, %dma_wait3A_168] : memref<5x80x128xf32, #tpu.memory_space<vmem>> -> memref<1x80x128xf32, #tpu.memory_space<vmem>>
    %dma_wait3A_170 = tpu.memref_squeeze %dma_wait3A_169 : memref<1x80x128xf32, #tpu.memory_space<vmem>> -> memref<80x128xf32, #tpu.memory_space<vmem>>
    %dma_wait3A_171 = arith.constant 0 : i32
    %dma_wait3A_172 = tpu.memref_slice %arg5[%dma_wait3A_165, %dma_wait3A_171] : memref<5x80xi32, #tpu.memory_space<vmem>> -> memref<1x80xi32, #tpu.memory_space<vmem>>
    %dma_wait3A_173 = tpu.memref_squeeze %dma_wait3A_172 : memref<1x80xi32, #tpu.memory_space<vmem>> -> memref<80xi32, #tpu.memory_space<vmem>>
    %dma_wait3A_174 = arith.constant 0 : i32
    %dma_wait3A_175 = arith.constant 0 : i32
    %dma_wait3A_176 = tpu.memref_slice %arg7[%dma_wait3A_174, %dma_wait3A_175] : memref<8193x128xf32, #tpu.memory_space<vmem_shared>> -> memref<8193x128xf32, #tpu.memory_space<vmem_shared>>
    tpu.wait_indirect_dma semaphore(%arg13 : memref<!tpu.dma_semaphore, #tpu.memory_space<semaphore_mem>>) src(%dma_wait3A_176 : memref<8193x128xf32, #tpu.memory_space<vmem_shared>>) dst(%dma_wait3A_170 : memref<80x128xf32, #tpu.memory_space<vmem>>)
    %add3A_177 = arith.constant 0 : i32
    %add3A_178 = arith.addi %mul3A_10, %add3A_177 : i32
    %dma_start3A_179 = arith.constant 0 : i32
    %dma_start3A_180 = arith.constant 0 : i32
    %dma_start3A_181 = arith.constant 0 : i32
    %dma_start3A_182 = tpu.memref_slice %arg6[%dma_start3A_179, %dma_start3A_180, %dma_start3A_181] : memref<5x80x128xf32, #tpu.memory_space<vmem>> -> memref<1x80x128xf32, #tpu.memory_space<vmem>>
    %dma_start3A_183 = tpu.memref_squeeze %dma_start3A_182 : memref<1x80x128xf32, #tpu.memory_space<vmem>> -> memref<80x128xf32, #tpu.memory_space<vmem>>
    %dma_start3A_184 = arith.constant 0 : i32
    %dma_start3A_185 = tpu.memref_slice %arg4[%add3A_178, %dma_start3A_184] : memref<819200x128xf32, #tpu.memory_space<hbm>> -> memref<80x128xf32, #tpu.memory_space<hbm>>
    %dma_start3A_186 = arith.constant 0 : i32
    %dma_start3A_187 = tpu.memref_slice %arg4[%add3A_178, %dma_start3A_186] : memref<819200x128xf32, #tpu.memory_space<hbm>> -> memref<80x128xf32, #tpu.memory_space<hbm>>
    %dma_start3A_188 = arith.constant 0 : i32
    %dma_start3A_189 = arith.constant 0 : i32
    %dma_start3A_190 = tpu.memref_slice %arg6[%dma_start3A_179, %dma_start3A_188, %dma_start3A_189] : memref<5x80x128xf32, #tpu.memory_space<vmem>> -> memref<1x80x128xf32, #tpu.memory_space<vmem>>
    %dma_start3A_191 = tpu.memref_squeeze %dma_start3A_190 : memref<1x80x128xf32, #tpu.memory_space<vmem>> -> memref<80x128xf32, #tpu.memory_space<vmem>>
    tpu.enqueue_dma source(%dma_start3A_191 : memref<80x128xf32, #tpu.memory_space<vmem>>) target(%dma_start3A_187 : memref<80x128xf32, #tpu.memory_space<hbm>>) target_semaphore(%arg18 : memref<!tpu.dma_semaphore, #tpu.memory_space<semaphore_mem>>)
    %add3A_192 = arith.constant 5 : i32
    %add3A_193 = arith.addi %mul3A_8, %add3A_192 : i32
    %dma_start3A_194 = arith.constant 0 : i32
    %dma_start3A_195 = arith.constant 0 : i32
    %dma_start3A_196 = tpu.memref_slice %arg5[%dma_start3A_194, %dma_start3A_195] : memref<5x80xi32, #tpu.memory_space<vmem>> -> memref<1x80xi32, #tpu.memory_space<vmem>>
    %dma_start3A_197 = tpu.memref_squeeze %dma_start3A_196 : memref<1x80xi32, #tpu.memory_space<vmem>> -> memref<80xi32, #tpu.memory_space<vmem>>
    %dma_start3A_198 = arith.constant 0 : i32
    %dma_start3A_199 = tpu.memref_slice %arg3[%add3A_193, %dma_start3A_198] : memref<10240x80xi32, #tpu.memory_space<hbm>> -> memref<1x80xi32, #tpu.memory_space<hbm>>
    %dma_start3A_200 = tpu.memref_squeeze %dma_start3A_199 : memref<1x80xi32, #tpu.memory_space<hbm>> -> memref<80xi32, #tpu.memory_space<hbm>>
    %dma_start3A_201 = arith.constant 0 : i32
    %dma_start3A_202 = tpu.memref_slice %arg5[%dma_start3A_194, %dma_start3A_201] : memref<5x80xi32, #tpu.memory_space<vmem>> -> memref<1x80xi32, #tpu.memory_space<vmem>>
    %dma_start3A_203 = tpu.memref_squeeze %dma_start3A_202 : memref<1x80xi32, #tpu.memory_space<vmem>> -> memref<80xi32, #tpu.memory_space<vmem>>
    %dma_start3A_204 = arith.constant 0 : i32
    %dma_start3A_205 = tpu.memref_slice %arg3[%add3A_193, %dma_start3A_204] : memref<10240x80xi32, #tpu.memory_space<hbm>> -> memref<1x80xi32, #tpu.memory_space<hbm>>
    %dma_start3A_206 = tpu.memref_squeeze %dma_start3A_205 : memref<1x80xi32, #tpu.memory_space<hbm>> -> memref<80xi32, #tpu.memory_space<hbm>>
    tpu.enqueue_dma source(%dma_start3A_206 : memref<80xi32, #tpu.memory_space<hbm>>) target(%dma_start3A_203 : memref<80xi32, #tpu.memory_space<vmem>>) target_semaphore(%arg8 : memref<!tpu.dma_semaphore, #tpu.memory_space<semaphore_mem>>)
    %add3A_207 = arith.constant 3 : i32
    %add3A_208 = arith.addi %mul3A_8, %add3A_207 : i32
    %dma_wait3A_209 = arith.constant 3 : i32
    %dma_wait3A_210 = arith.constant 0 : i32
    %dma_wait3A_211 = tpu.memref_slice %arg5[%dma_wait3A_209, %dma_wait3A_210] : memref<5x80xi32, #tpu.memory_space<vmem>> -> memref<1x80xi32, #tpu.memory_space<vmem>>
    %dma_wait3A_212 = tpu.memref_squeeze %dma_wait3A_211 : memref<1x80xi32, #tpu.memory_space<vmem>> -> memref<80xi32, #tpu.memory_space<vmem>>
    %dma_wait3A_213 = arith.constant 0 : i32
    %dma_wait3A_214 = tpu.memref_slice %arg3[%add3A_208, %dma_wait3A_213] : memref<10240x80xi32, #tpu.memory_space<hbm>> -> memref<1x80xi32, #tpu.memory_space<hbm>>
    %dma_wait3A_215 = tpu.memref_squeeze %dma_wait3A_214 : memref<1x80xi32, #tpu.memory_space<hbm>> -> memref<80xi32, #tpu.memory_space<hbm>>
    %dma_wait3A_216 = arith.constant 0 : i32
    %dma_wait3A_217 = tpu.memref_slice %arg5[%dma_wait3A_209, %dma_wait3A_216] : memref<5x80xi32, #tpu.memory_space<vmem>> -> memref<1x80xi32, #tpu.memory_space<vmem>>
    %dma_wait3A_218 = tpu.memref_squeeze %dma_wait3A_217 : memref<1x80xi32, #tpu.memory_space<vmem>> -> memref<80xi32, #tpu.memory_space<vmem>>
    %dma_wait3A_219 = arith.constant 0 : i32
    %dma_wait3A_220 = tpu.memref_slice %arg3[%add3A_208, %dma_wait3A_219] : memref<10240x80xi32, #tpu.memory_space<hbm>> -> memref<1x80xi32, #tpu.memory_space<hbm>>
    %dma_wait3A_221 = tpu.memref_squeeze %dma_wait3A_220 : memref<1x80xi32, #tpu.memory_space<hbm>> -> memref<80xi32, #tpu.memory_space<hbm>>
    tpu.wait_dma2 semaphore(%arg11 : memref<!tpu.dma_semaphore, #tpu.memory_space<semaphore_mem>>) src(%dma_wait3A_221 : memref<80xi32, #tpu.memory_space<hbm>>) dst(%dma_wait3A_218 : memref<80xi32, #tpu.memory_space<vmem>>)
    %dma_start3A_222 = arith.constant 3 : i32
    %dma_start3A_223 = arith.constant 3 : i32
    %dma_start3A_224 = arith.constant 0 : i32
    %dma_start3A_225 = arith.constant 0 : i32
    %dma_start3A_226 = tpu.memref_slice %arg6[%dma_start3A_223, %dma_start3A_224, %dma_start3A_225] : memref<5x80x128xf32, #tpu.memory_space<vmem>> -> memref<1x80x128xf32, #tpu.memory_space<vmem>>
    %dma_start3A_227 = tpu.memref_squeeze %dma_start3A_226 : memref<1x80x128xf32, #tpu.memory_space<vmem>> -> memref<80x128xf32, #tpu.memory_space<vmem>>
    %dma_start3A_228 = arith.constant 0 : i32
    %dma_start3A_229 = tpu.memref_slice %arg5[%dma_start3A_222, %dma_start3A_228] : memref<5x80xi32, #tpu.memory_space<vmem>> -> memref<1x80xi32, #tpu.memory_space<vmem>>
    %dma_start3A_230 = tpu.memref_squeeze %dma_start3A_229 : memref<1x80xi32, #tpu.memory_space<vmem>> -> memref<80xi32, #tpu.memory_space<vmem>>
    %dma_start3A_231 = arith.constant 0 : i32
    %dma_start3A_232 = arith.constant 0 : i32
    %dma_start3A_233 = tpu.memref_slice %arg7[%dma_start3A_231, %dma_start3A_232] : memref<8193x128xf32, #tpu.memory_space<vmem_shared>> -> memref<8193x128xf32, #tpu.memory_space<vmem_shared>>
    tpu.enqueue_indirect_dma source(%dma_start3A_233 : memref<8193x128xf32, #tpu.memory_space<vmem_shared>>) target(%dma_start3A_227 : memref<80x128xf32, #tpu.memory_space<vmem>>) offsets(%dma_start3A_230 : memref<80xi32, #tpu.memory_space<vmem>>) semaphore(%arg16 : memref<!tpu.dma_semaphore, #tpu.memory_space<semaphore_mem>>)
    %dma_wait3A_234 = arith.constant 1 : i32
    %dma_wait3A_235 = arith.constant 1 : i32
    %dma_wait3A_236 = arith.constant 0 : i32
    %dma_wait3A_237 = arith.constant 0 : i32
    %dma_wait3A_238 = tpu.memref_slice %arg6[%dma_wait3A_235, %dma_wait3A_236, %dma_wait3A_237] : memref<5x80x128xf32, #tpu.memory_space<vmem>> -> memref<1x80x128xf32, #tpu.memory_space<vmem>>
    %dma_wait3A_239 = tpu.memref_squeeze %dma_wait3A_238 : memref<1x80x128xf32, #tpu.memory_space<vmem>> -> memref<80x128xf32, #tpu.memory_space<vmem>>
    %dma_wait3A_240 = arith.constant 0 : i32
    %dma_wait3A_241 = tpu.memref_slice %arg5[%dma_wait3A_234, %dma_wait3A_240] : memref<5x80xi32, #tpu.memory_space<vmem>> -> memref<1x80xi32, #tpu.memory_space<vmem>>
    %dma_wait3A_242 = tpu.memref_squeeze %dma_wait3A_241 : memref<1x80xi32, #tpu.memory_space<vmem>> -> memref<80xi32, #tpu.memory_space<vmem>>
    %dma_wait3A_243 = arith.constant 0 : i32
    %dma_wait3A_244 = arith.constant 0 : i32
    %dma_wait3A_245 = tpu.memref_slice %arg7[%dma_wait3A_243, %dma_wait3A_244] : memref<8193x128xf32, #tpu.memory_space<vmem_shared>> -> memref<8193x128xf32, #tpu.memory_space<vmem_shared>>
    tpu.wait_indirect_dma semaphore(%arg14 : memref<!tpu.dma_semaphore, #tpu.memory_space<semaphore_mem>>) src(%dma_wait3A_245 : memref<8193x128xf32, #tpu.memory_space<vmem_shared>>) dst(%dma_wait3A_239 : memref<80x128xf32, #tpu.memory_space<vmem>>)
    %add3A_246 = arith.constant 80 : i32
    %add3A_247 = arith.addi %mul3A_10, %add3A_246 : i32
    %dma_start3A_248 = arith.constant 1 : i32
    %dma_start3A_249 = arith.constant 0 : i32
    %dma_start3A_250 = arith.constant 0 : i32
    %dma_start3A_251 = tpu.memref_slice %arg6[%dma_start3A_248, %dma_start3A_249, %dma_start3A_250] : memref<5x80x128xf32, #tpu.memory_space<vmem>> -> memref<1x80x128xf32, #tpu.memory_space<vmem>>
    %dma_start3A_252 = tpu.memref_squeeze %dma_start3A_251 : memref<1x80x128xf32, #tpu.memory_space<vmem>> -> memref<80x128xf32, #tpu.memory_space<vmem>>
    %dma_start3A_253 = arith.constant 0 : i32
    %dma_start3A_254 = tpu.memref_slice %arg4[%add3A_247, %dma_start3A_253] : memref<819200x128xf32, #tpu.memory_space<hbm>> -> memref<80x128xf32, #tpu.memory_space<hbm>>
    %dma_start3A_255 = arith.constant 0 : i32
    %dma_start3A_256 = tpu.memref_slice %arg4[%add3A_247, %dma_start3A_255] : memref<819200x128xf32, #tpu.memory_space<hbm>> -> memref<80x128xf32, #tpu.memory_space<hbm>>
    %dma_start3A_257 = arith.constant 0 : i32
    %dma_start3A_258 = arith.constant 0 : i32
    %dma_start3A_259 = tpu.memref_slice %arg6[%dma_start3A_248, %dma_start3A_257, %dma_start3A_258] : memref<5x80x128xf32, #tpu.memory_space<vmem>> -> memref<1x80x128xf32, #tpu.memory_space<vmem>>
    %dma_start3A_260 = tpu.memref_squeeze %dma_start3A_259 : memref<1x80x128xf32, #tpu.memory_space<vmem>> -> memref<80x128xf32, #tpu.memory_space<vmem>>
    tpu.enqueue_dma source(%dma_start3A_260 : memref<80x128xf32, #tpu.memory_space<vmem>>) target(%dma_start3A_256 : memref<80x128xf32, #tpu.memory_space<hbm>>) target_semaphore(%arg19 : memref<!tpu.dma_semaphore, #tpu.memory_space<semaphore_mem>>)
    %add3A_261 = arith.constant 6 : i32
    %add3A_262 = arith.addi %mul3A_8, %add3A_261 : i32
    %dma_start3A_263 = arith.constant 1 : i32
    %dma_start3A_264 = arith.constant 0 : i32
    %dma_start3A_265 = tpu.memref_slice %arg5[%dma_start3A_263, %dma_start3A_264] : memref<5x80xi32, #tpu.memory_space<vmem>> -> memref<1x80xi32, #tpu.memory_space<vmem>>
    %dma_start3A_266 = tpu.memref_squeeze %dma_start3A_265 : memref<1x80xi32, #tpu.memory_space<vmem>> -> memref<80xi32, #tpu.memory_space<vmem>>
    %dma_start3A_267 = arith.constant 0 : i32
    %dma_start3A_268 = tpu.memref_slice %arg3[%add3A_262, %dma_start3A_267] : memref<10240x80xi32, #tpu.memory_space<hbm>> -> memref<1x80xi32, #tpu.memory_space<hbm>>
    %dma_start3A_269 = tpu.memref_squeeze %dma_start3A_268 : memref<1x80xi32, #tpu.memory_space<hbm>> -> memref<80xi32, #tpu.memory_space<hbm>>
    %dma_start3A_270 = arith.constant 0 : i32
    %dma_start3A_271 = tpu.memref_slice %arg5[%dma_start3A_263, %dma_start3A_270] : memref<5x80xi32, #tpu.memory_space<vmem>> -> memref<1x80xi32, #tpu.memory_space<vmem>>
    %dma_start3A_272 = tpu.memref_squeeze %dma_start3A_271 : memref<1x80xi32, #tpu.memory_space<vmem>> -> memref<80xi32, #tpu.memory_space<vmem>>
    %dma_start3A_273 = arith.constant 0 : i32
    %dma_start3A_274 = tpu.memref_slice %arg3[%add3A_262, %dma_start3A_273] : memref<10240x80xi32, #tpu.memory_space<hbm>> -> memref<1x80xi32, #tpu.memory_space<hbm>>
    %dma_start3A_275 = tpu.memref_squeeze %dma_start3A_274 : memref<1x80xi32, #tpu.memory_space<hbm>> -> memref<80xi32, #tpu.memory_space<hbm>>
    tpu.enqueue_dma source(%dma_start3A_275 : memref<80xi32, #tpu.memory_space<hbm>>) target(%dma_start3A_272 : memref<80xi32, #tpu.memory_space<vmem>>) target_semaphore(%arg9 : memref<!tpu.dma_semaphore, #tpu.memory_space<semaphore_mem>>)
    %add3A_276 = arith.constant 4 : i32
    %add3A_277 = arith.addi %mul3A_8, %add3A_276 : i32
    %dma_wait3A_278 = arith.constant 4 : i32
    %dma_wait3A_279 = arith.constant 0 : i32
    %dma_wait3A_280 = tpu.memref_slice %arg5[%dma_wait3A_278, %dma_wait3A_279] : memref<5x80xi32, #tpu.memory_space<vmem>> -> memref<1x80xi32, #tpu.memory_space<vmem>>
    %dma_wait3A_281 = tpu.memref_squeeze %dma_wait3A_280 : memref<1x80xi32, #tpu.memory_space<vmem>> -> memref<80xi32, #tpu.memory_space<vmem>>
    %dma_wait3A_282 = arith.constant 0 : i32
    %dma_wait3A_283 = tpu.memref_slice %arg3[%add3A_277, %dma_wait3A_282] : memref<10240x80xi32, #tpu.memory_space<hbm>> -> memref<1x80xi32, #tpu.memory_space<hbm>>
    %dma_wait3A_284 = tpu.memref_squeeze %dma_wait3A_283 : memref<1x80xi32, #tpu.memory_space<hbm>> -> memref<80xi32, #tpu.memory_space<hbm>>
    %dma_wait3A_285 = arith.constant 0 : i32
    %dma_wait3A_286 = tpu.memref_slice %arg5[%dma_wait3A_278, %dma_wait3A_285] : memref<5x80xi32, #tpu.memory_space<vmem>> -> memref<1x80xi32, #tpu.memory_space<vmem>>
    %dma_wait3A_287 = tpu.memref_squeeze %dma_wait3A_286 : memref<1x80xi32, #tpu.memory_space<vmem>> -> memref<80xi32, #tpu.memory_space<vmem>>
    %dma_wait3A_288 = arith.constant 0 : i32
    %dma_wait3A_289 = tpu.memref_slice %arg3[%add3A_277, %dma_wait3A_288] : memref<10240x80xi32, #tpu.memory_space<hbm>> -> memref<1x80xi32, #tpu.memory_space<hbm>>
    %dma_wait3A_290 = tpu.memref_squeeze %dma_wait3A_289 : memref<1x80xi32, #tpu.memory_space<hbm>> -> memref<80xi32, #tpu.memory_space<hbm>>
    tpu.wait_dma2 semaphore(%arg12 : memref<!tpu.dma_semaphore, #tpu.memory_space<semaphore_mem>>) src(%dma_wait3A_290 : memref<80xi32, #tpu.memory_space<hbm>>) dst(%dma_wait3A_287 : memref<80xi32, #tpu.memory_space<vmem>>)
    %dma_start3A_291 = arith.constant 4 : i32
    %dma_start3A_292 = arith.constant 4 : i32
    %dma_start3A_293 = arith.constant 0 : i32
    %dma_start3A_294 = arith.constant 0 : i32
    %dma_start3A_295 = tpu.memref_slice %arg6[%dma_start3A_292, %dma_start3A_293, %dma_start3A_294] : memref<5x80x128xf32, #tpu.memory_space<vmem>> -> memref<1x80x128xf32, #tpu.memory_space<vmem>>
    %dma_start3A_296 = tpu.memref_squeeze %dma_start3A_295 : memref<1x80x128xf32, #tpu.memory_space<vmem>> -> memref<80x128xf32, #tpu.memory_space<vmem>>
    %dma_start3A_297 = arith.constant 0 : i32
    %dma_start3A_298 = tpu.memref_slice %arg5[%dma_start3A_291, %dma_start3A_297] : memref<5x80xi32, #tpu.memory_space<vmem>> -> memref<1x80xi32, #tpu.memory_space<vmem>>
    %dma_start3A_299 = tpu.memref_squeeze %dma_start3A_298 : memref<1x80xi32, #tpu.memory_space<vmem>> -> memref<80xi32, #tpu.memory_space<vmem>>
    %dma_start3A_300 = arith.constant 0 : i32
    %dma_start3A_301 = arith.constant 0 : i32
    %dma_start3A_302 = tpu.memref_slice %arg7[%dma_start3A_300, %dma_start3A_301] : memref<8193x128xf32, #tpu.memory_space<vmem_shared>> -> memref<8193x128xf32, #tpu.memory_space<vmem_shared>>
    tpu.enqueue_indirect_dma source(%dma_start3A_302 : memref<8193x128xf32, #tpu.memory_space<vmem_shared>>) target(%dma_start3A_296 : memref<80x128xf32, #tpu.memory_space<vmem>>) offsets(%dma_start3A_299 : memref<80xi32, #tpu.memory_space<vmem>>) semaphore(%arg17 : memref<!tpu.dma_semaphore, #tpu.memory_space<semaphore_mem>>)
    %dma_wait3A_303 = arith.constant 2 : i32
    %dma_wait3A_304 = arith.constant 2 : i32
    %dma_wait3A_305 = arith.constant 0 : i32
    %dma_wait3A_306 = arith.constant 0 : i32
    %dma_wait3A_307 = tpu.memref_slice %arg6[%dma_wait3A_304, %dma_wait3A_305, %dma_wait3A_306] : memref<5x80x128xf32, #tpu.memory_space<vmem>> -> memref<1x80x128xf32, #tpu.memory_space<vmem>>
    %dma_wait3A_308 = tpu.memref_squeeze %dma_wait3A_307 : memref<1x80x128xf32, #tpu.memory_space<vmem>> -> memref<80x128xf32, #tpu.memory_space<vmem>>
    %dma_wait3A_309 = arith.constant 0 : i32
    %dma_wait3A_310 = tpu.memref_slice %arg5[%dma_wait3A_303, %dma_wait3A_309] : memref<5x80xi32, #tpu.memory_space<vmem>> -> memref<1x80xi32, #tpu.memory_space<vmem>>
    %dma_wait3A_311 = tpu.memref_squeeze %dma_wait3A_310 : memref<1x80xi32, #tpu.memory_space<vmem>> -> memref<80xi32, #tpu.memory_space<vmem>>
    %dma_wait3A_312 = arith.constant 0 : i32
    %dma_wait3A_313 = arith.constant 0 : i32
    %dma_wait3A_314 = tpu.memref_slice %arg7[%dma_wait3A_312, %dma_wait3A_313] : memref<8193x128xf32, #tpu.memory_space<vmem_shared>> -> memref<8193x128xf32, #tpu.memory_space<vmem_shared>>
    tpu.wait_indirect_dma semaphore(%arg15 : memref<!tpu.dma_semaphore, #tpu.memory_space<semaphore_mem>>) src(%dma_wait3A_314 : memref<8193x128xf32, #tpu.memory_space<vmem_shared>>) dst(%dma_wait3A_308 : memref<80x128xf32, #tpu.memory_space<vmem>>)
    %add3A_315 = arith.constant 160 : i32
    %add3A_316 = arith.addi %mul3A_10, %add3A_315 : i32
    %dma_start3A_317 = arith.constant 2 : i32
    %dma_start3A_318 = arith.constant 0 : i32
    %dma_start3A_319 = arith.constant 0 : i32
    %dma_start3A_320 = tpu.memref_slice %arg6[%dma_start3A_317, %dma_start3A_318, %dma_start3A_319] : memref<5x80x128xf32, #tpu.memory_space<vmem>> -> memref<1x80x128xf32, #tpu.memory_space<vmem>>
    %dma_start3A_321 = tpu.memref_squeeze %dma_start3A_320 : memref<1x80x128xf32, #tpu.memory_space<vmem>> -> memref<80x128xf32, #tpu.memory_space<vmem>>
    %dma_start3A_322 = arith.constant 0 : i32
    %dma_start3A_323 = tpu.memref_slice %arg4[%add3A_316, %dma_start3A_322] : memref<819200x128xf32, #tpu.memory_space<hbm>> -> memref<80x128xf32, #tpu.memory_space<hbm>>
    %dma_start3A_324 = arith.constant 0 : i32
    %dma_start3A_325 = tpu.memref_slice %arg4[%add3A_316, %dma_start3A_324] : memref<819200x128xf32, #tpu.memory_space<hbm>> -> memref<80x128xf32, #tpu.memory_space<hbm>>
    %dma_start3A_326 = arith.constant 0 : i32
    %dma_start3A_327 = arith.constant 0 : i32
    %dma_start3A_328 = tpu.memref_slice %arg6[%dma_start3A_317, %dma_start3A_326, %dma_start3A_327] : memref<5x80x128xf32, #tpu.memory_space<vmem>> -> memref<1x80x128xf32, #tpu.memory_space<vmem>>
    %dma_start3A_329 = tpu.memref_squeeze %dma_start3A_328 : memref<1x80x128xf32, #tpu.memory_space<vmem>> -> memref<80x128xf32, #tpu.memory_space<vmem>>
    tpu.enqueue_dma source(%dma_start3A_329 : memref<80x128xf32, #tpu.memory_space<vmem>>) target(%dma_start3A_325 : memref<80x128xf32, #tpu.memory_space<hbm>>) target_semaphore(%arg20 : memref<!tpu.dma_semaphore, #tpu.memory_space<semaphore_mem>>)
    %add3A_330 = arith.constant 7 : i32
    %add3A_331 = arith.addi %mul3A_8, %add3A_330 : i32
    %dma_start3A_332 = arith.constant 2 : i32
    %dma_start3A_333 = arith.constant 0 : i32
    %dma_start3A_334 = tpu.memref_slice %arg5[%dma_start3A_332, %dma_start3A_333] : memref<5x80xi32, #tpu.memory_space<vmem>> -> memref<1x80xi32, #tpu.memory_space<vmem>>
    %dma_start3A_335 = tpu.memref_squeeze %dma_start3A_334 : memref<1x80xi32, #tpu.memory_space<vmem>> -> memref<80xi32, #tpu.memory_space<vmem>>
    %dma_start3A_336 = arith.constant 0 : i32
    %dma_start3A_337 = tpu.memref_slice %arg3[%add3A_331, %dma_start3A_336] : memref<10240x80xi32, #tpu.memory_space<hbm>> -> memref<1x80xi32, #tpu.memory_space<hbm>>
    %dma_start3A_338 = tpu.memref_squeeze %dma_start3A_337 : memref<1x80xi32, #tpu.memory_space<hbm>> -> memref<80xi32, #tpu.memory_space<hbm>>
    %dma_start3A_339 = arith.constant 0 : i32
    %dma_start3A_340 = tpu.memref_slice %arg5[%dma_start3A_332, %dma_start3A_339] : memref<5x80xi32, #tpu.memory_space<vmem>> -> memref<1x80xi32, #tpu.memory_space<vmem>>
    %dma_start3A_341 = tpu.memref_squeeze %dma_start3A_340 : memref<1x80xi32, #tpu.memory_space<vmem>> -> memref<80xi32, #tpu.memory_space<vmem>>
    %dma_start3A_342 = arith.constant 0 : i32
    %dma_start3A_343 = tpu.memref_slice %arg3[%add3A_331, %dma_start3A_342] : memref<10240x80xi32, #tpu.memory_space<hbm>> -> memref<1x80xi32, #tpu.memory_space<hbm>>
    %dma_start3A_344 = tpu.memref_squeeze %dma_start3A_343 : memref<1x80xi32, #tpu.memory_space<hbm>> -> memref<80xi32, #tpu.memory_space<hbm>>
    tpu.enqueue_dma source(%dma_start3A_344 : memref<80xi32, #tpu.memory_space<hbm>>) target(%dma_start3A_341 : memref<80xi32, #tpu.memory_space<vmem>>) target_semaphore(%arg10 : memref<!tpu.dma_semaphore, #tpu.memory_space<semaphore_mem>>)
    %scan3A = arith.constant 0 : i32
    %scan3A_345 = arith.constant 1 : i32
    %scan3A_346 = arith.constant 62 : i32
    %scan3A_347 = arith.addi %scan3A_345, %scan3A_346 : i32
    %scan3A_348 = arith.constant 1 : i32
    scf.for %scan3A_854 = %scan3A_345 to %scan3A_347 step %scan3A_348  : i32 {
      %mul3A_855 = arith.constant 5 : i32
      %mul3A_856 = arith.muli %scan3A_854, %mul3A_855 : i32
      %add3A_857 = arith.constant 0 : i32
      %add3A_858 = arith.addi %mul3A_856, %add3A_857 : i32
      %sub3A = arith.constant 5 : i32
      %sub3A_859 = arith.subi %add3A_858, %sub3A : i32
      %mul3A_860 = arith.constant 80 : i32
      %mul3A_861 = arith.muli %sub3A_859, %mul3A_860 : i32
      %add3A_862 = arith.addi %mul3A_10, %mul3A_861 : i32
      %dma_wait3A_863 = arith.constant 0 : i32
      %dma_wait3A_864 = arith.constant 0 : i32
      %dma_wait3A_865 = arith.constant 0 : i32
      %dma_wait3A_866 = tpu.memref_slice %arg6[%dma_wait3A_863, %dma_wait3A_864, %dma_wait3A_865] : memref<5x80x128xf32, #tpu.memory_space<vmem>> -> memref<1x80x128xf32, #tpu.memory_space<vmem>>
      %dma_wait3A_867 = tpu.memref_squeeze %dma_wait3A_866 : memref<1x80x128xf32, #tpu.memory_space<vmem>> -> memref<80x128xf32, #tpu.memory_space<vmem>>
      %dma_wait3A_868 = arith.constant 0 : i32
      %dma_wait3A_869 = tpu.memref_slice %arg4[%add3A_862, %dma_wait3A_868] : memref<819200x128xf32, #tpu.memory_space<hbm>> -> memref<80x128xf32, #tpu.memory_space<hbm>>
      %dma_wait3A_870 = arith.constant 0 : i32
      %dma_wait3A_871 = tpu.memref_slice %arg4[%add3A_862, %dma_wait3A_870] : memref<819200x128xf32, #tpu.memory_space<hbm>> -> memref<80x128xf32, #tpu.memory_space<hbm>>
      %dma_wait3A_872 = arith.constant 0 : i32
      %dma_wait3A_873 = arith.constant 0 : i32
      %dma_wait3A_874 = tpu.memref_slice %arg6[%dma_wait3A_863, %dma_wait3A_872, %dma_wait3A_873] : memref<5x80x128xf32, #tpu.memory_space<vmem>> -> memref<1x80x128xf32, #tpu.memory_space<vmem>>
      %dma_wait3A_875 = tpu.memref_squeeze %dma_wait3A_874 : memref<1x80x128xf32, #tpu.memory_space<vmem>> -> memref<80x128xf32, #tpu.memory_space<vmem>>
      tpu.wait_dma2 semaphore(%arg18 : memref<!tpu.dma_semaphore, #tpu.memory_space<semaphore_mem>>) src(%dma_wait3A_875 : memref<80x128xf32, #tpu.memory_space<vmem>>) dst(%dma_wait3A_871 : memref<80x128xf32, #tpu.memory_space<hbm>>)
      %add3A_876 = arith.addi %mul3A_8, %add3A_858 : i32
      %dma_wait3A_877 = arith.constant 0 : i32
      %dma_wait3A_878 = arith.constant 0 : i32
      %dma_wait3A_879 = tpu.memref_slice %arg5[%dma_wait3A_877, %dma_wait3A_878] : memref<5x80xi32, #tpu.memory_space<vmem>> -> memref<1x80xi32, #tpu.memory_space<vmem>>
      %dma_wait3A_880 = tpu.memref_squeeze %dma_wait3A_879 : memref<1x80xi32, #tpu.memory_space<vmem>> -> memref<80xi32, #tpu.memory_space<vmem>>
      %dma_wait3A_881 = arith.constant 0 : i32
      %dma_wait3A_882 = tpu.memref_slice %arg3[%add3A_876, %dma_wait3A_881] : memref<10240x80xi32, #tpu.memory_space<hbm>> -> memref<1x80xi32, #tpu.memory_space<hbm>>
      %dma_wait3A_883 = tpu.memref_squeeze %dma_wait3A_882 : memref<1x80xi32, #tpu.memory_space<hbm>> -> memref<80xi32, #tpu.memory_space<hbm>>
      %dma_wait3A_884 = arith.constant 0 : i32
      %dma_wait3A_885 = tpu.memref_slice %arg5[%dma_wait3A_877, %dma_wait3A_884] : memref<5x80xi32, #tpu.memory_space<vmem>> -> memref<1x80xi32, #tpu.memory_space<vmem>>
      %dma_wait3A_886 = tpu.memref_squeeze %dma_wait3A_885 : memref<1x80xi32, #tpu.memory_space<vmem>> -> memref<80xi32, #tpu.memory_space<vmem>>
      %dma_wait3A_887 = arith.constant 0 : i32
      %dma_wait3A_888 = tpu.memref_slice %arg3[%add3A_876, %dma_wait3A_887] : memref<10240x80xi32, #tpu.memory_space<hbm>> -> memref<1x80xi32, #tpu.memory_space<hbm>>
      %dma_wait3A_889 = tpu.memref_squeeze %dma_wait3A_888 : memref<1x80xi32, #tpu.memory_space<hbm>> -> memref<80xi32, #tpu.memory_space<hbm>>
      tpu.wait_dma2 semaphore(%arg8 : memref<!tpu.dma_semaphore, #tpu.memory_space<semaphore_mem>>) src(%dma_wait3A_889 : memref<80xi32, #tpu.memory_space<hbm>>) dst(%dma_wait3A_886 : memref<80xi32, #tpu.memory_space<vmem>>)
      %dma_start3A_890 = arith.constant 0 : i32
      %dma_start3A_891 = arith.constant 0 : i32
      %dma_start3A_892 = arith.constant 0 : i32
      %dma_start3A_893 = arith.constant 0 : i32
      %dma_start3A_894 = tpu.memref_slice %arg6[%dma_start3A_891, %dma_start3A_892, %dma_start3A_893] : memref<5x80x128xf32, #tpu.memory_space<vmem>> -> memref<1x80x128xf32, #tpu.memory_space<vmem>>
      %dma_start3A_895 = tpu.memref_squeeze %dma_start3A_894 : memref<1x80x128xf32, #tpu.memory_space<vmem>> -> memref<80x128xf32, #tpu.memory_space<vmem>>
      %dma_start3A_896 = arith.constant 0 : i32
      %dma_start3A_897 = tpu.memref_slice %arg5[%dma_start3A_890, %dma_start3A_896] : memref<5x80xi32, #tpu.memory_space<vmem>> -> memref<1x80xi32, #tpu.memory_space<vmem>>
      %dma_start3A_898 = tpu.memref_squeeze %dma_start3A_897 : memref<1x80xi32, #tpu.memory_space<vmem>> -> memref<80xi32, #tpu.memory_space<vmem>>
      %dma_start3A_899 = arith.constant 0 : i32
      %dma_start3A_900 = arith.constant 0 : i32
      %dma_start3A_901 = tpu.memref_slice %arg7[%dma_start3A_899, %dma_start3A_900] : memref<8193x128xf32, #tpu.memory_space<vmem_shared>> -> memref<8193x128xf32, #tpu.memory_space<vmem_shared>>
      tpu.enqueue_indirect_dma source(%dma_start3A_901 : memref<8193x128xf32, #tpu.memory_space<vmem_shared>>) target(%dma_start3A_895 : memref<80x128xf32, #tpu.memory_space<vmem>>) offsets(%dma_start3A_898 : memref<80xi32, #tpu.memory_space<vmem>>) semaphore(%arg13 : memref<!tpu.dma_semaphore, #tpu.memory_space<semaphore_mem>>)
      %sub3A_902 = arith.constant 2 : i32
      %sub3A_903 = arith.subi %add3A_858, %sub3A_902 : i32
      %dma_wait3A_904 = arith.constant 3 : i32
      %dma_wait3A_905 = arith.constant 3 : i32
      %dma_wait3A_906 = arith.constant 0 : i32
      %dma_wait3A_907 = arith.constant 0 : i32
      %dma_wait3A_908 = tpu.memref_slice %arg6[%dma_wait3A_905, %dma_wait3A_906, %dma_wait3A_907] : memref<5x80x128xf32, #tpu.memory_space<vmem>> -> memref<1x80x128xf32, #tpu.memory_space<vmem>>
      %dma_wait3A_909 = tpu.memref_squeeze %dma_wait3A_908 : memref<1x80x128xf32, #tpu.memory_space<vmem>> -> memref<80x128xf32, #tpu.memory_space<vmem>>
      %dma_wait3A_910 = arith.constant 0 : i32
      %dma_wait3A_911 = tpu.memref_slice %arg5[%dma_wait3A_904, %dma_wait3A_910] : memref<5x80xi32, #tpu.memory_space<vmem>> -> memref<1x80xi32, #tpu.memory_space<vmem>>
      %dma_wait3A_912 = tpu.memref_squeeze %dma_wait3A_911 : memref<1x80xi32, #tpu.memory_space<vmem>> -> memref<80xi32, #tpu.memory_space<vmem>>
      %dma_wait3A_913 = arith.constant 0 : i32
      %dma_wait3A_914 = arith.constant 0 : i32
      %dma_wait3A_915 = tpu.memref_slice %arg7[%dma_wait3A_913, %dma_wait3A_914] : memref<8193x128xf32, #tpu.memory_space<vmem_shared>> -> memref<8193x128xf32, #tpu.memory_space<vmem_shared>>
      tpu.wait_indirect_dma semaphore(%arg16 : memref<!tpu.dma_semaphore, #tpu.memory_space<semaphore_mem>>) src(%dma_wait3A_915 : memref<8193x128xf32, #tpu.memory_space<vmem_shared>>) dst(%dma_wait3A_909 : memref<80x128xf32, #tpu.memory_space<vmem>>)
      %mul3A_916 = arith.constant 80 : i32
      %mul3A_917 = arith.muli %sub3A_903, %mul3A_916 : i32
      %add3A_918 = arith.addi %mul3A_10, %mul3A_917 : i32
      %dma_start3A_919 = arith.constant 3 : i32
      %dma_start3A_920 = arith.constant 0 : i32
      %dma_start3A_921 = arith.constant 0 : i32
      %dma_start3A_922 = tpu.memref_slice %arg6[%dma_start3A_919, %dma_start3A_920, %dma_start3A_921] : memref<5x80x128xf32, #tpu.memory_space<vmem>> -> memref<1x80x128xf32, #tpu.memory_space<vmem>>
      %dma_start3A_923 = tpu.memref_squeeze %dma_start3A_922 : memref<1x80x128xf32, #tpu.memory_space<vmem>> -> memref<80x128xf32, #tpu.memory_space<vmem>>
      %dma_start3A_924 = arith.constant 0 : i32
      %dma_start3A_925 = tpu.memref_slice %arg4[%add3A_918, %dma_start3A_924] : memref<819200x128xf32, #tpu.memory_space<hbm>> -> memref<80x128xf32, #tpu.memory_space<hbm>>
      %dma_start3A_926 = arith.constant 0 : i32
      %dma_start3A_927 = tpu.memref_slice %arg4[%add3A_918, %dma_start3A_926] : memref<819200x128xf32, #tpu.memory_space<hbm>> -> memref<80x128xf32, #tpu.memory_space<hbm>>
      %dma_start3A_928 = arith.constant 0 : i32
      %dma_start3A_929 = arith.constant 0 : i32
      %dma_start3A_930 = tpu.memref_slice %arg6[%dma_start3A_919, %dma_start3A_928, %dma_start3A_929] : memref<5x80x128xf32, #tpu.memory_space<vmem>> -> memref<1x80x128xf32, #tpu.memory_space<vmem>>
      %dma_start3A_931 = tpu.memref_squeeze %dma_start3A_930 : memref<1x80x128xf32, #tpu.memory_space<vmem>> -> memref<80x128xf32, #tpu.memory_space<vmem>>
      tpu.enqueue_dma source(%dma_start3A_931 : memref<80x128xf32, #tpu.memory_space<vmem>>) target(%dma_start3A_927 : memref<80x128xf32, #tpu.memory_space<hbm>>) target_semaphore(%arg21 : memref<!tpu.dma_semaphore, #tpu.memory_space<semaphore_mem>>)
      %add3A_932 = arith.constant 3 : i32
      %add3A_933 = arith.addi %add3A_858, %add3A_932 : i32
      %add3A_934 = arith.addi %mul3A_8, %add3A_933 : i32
      %dma_start3A_935 = arith.constant 3 : i32
      %dma_start3A_936 = arith.constant 0 : i32
      %dma_start3A_937 = tpu.memref_slice %arg5[%dma_start3A_935, %dma_start3A_936] : memref<5x80xi32, #tpu.memory_space<vmem>> -> memref<1x80xi32, #tpu.memory_space<vmem>>
      %dma_start3A_938 = tpu.memref_squeeze %dma_start3A_937 : memref<1x80xi32, #tpu.memory_space<vmem>> -> memref<80xi32, #tpu.memory_space<vmem>>
      %dma_start3A_939 = arith.constant 0 : i32
      %dma_start3A_940 = tpu.memref_slice %arg3[%add3A_934, %dma_start3A_939] : memref<10240x80xi32, #tpu.memory_space<hbm>> -> memref<1x80xi32, #tpu.memory_space<hbm>>
      %dma_start3A_941 = tpu.memref_squeeze %dma_start3A_940 : memref<1x80xi32, #tpu.memory_space<hbm>> -> memref<80xi32, #tpu.memory_space<hbm>>
      %dma_start3A_942 = arith.constant 0 : i32
      %dma_start3A_943 = tpu.memref_slice %arg5[%dma_start3A_935, %dma_start3A_942] : memref<5x80xi32, #tpu.memory_space<vmem>> -> memref<1x80xi32, #tpu.memory_space<vmem>>
      %dma_start3A_944 = tpu.memref_squeeze %dma_start3A_943 : memref<1x80xi32, #tpu.memory_space<vmem>> -> memref<80xi32, #tpu.memory_space<vmem>>
      %dma_start3A_945 = arith.constant 0 : i32
      %dma_start3A_946 = tpu.memref_slice %arg3[%add3A_934, %dma_start3A_945] : memref<10240x80xi32, #tpu.memory_space<hbm>> -> memref<1x80xi32, #tpu.memory_space<hbm>>
      %dma_start3A_947 = tpu.memref_squeeze %dma_start3A_946 : memref<1x80xi32, #tpu.memory_space<hbm>> -> memref<80xi32, #tpu.memory_space<hbm>>
      tpu.enqueue_dma source(%dma_start3A_947 : memref<80xi32, #tpu.memory_space<hbm>>) target(%dma_start3A_944 : memref<80xi32, #tpu.memory_space<vmem>>) target_semaphore(%arg11 : memref<!tpu.dma_semaphore, #tpu.memory_space<semaphore_mem>>)
      %mul3A_948 = arith.constant 5 : i32
      %mul3A_949 = arith.muli %scan3A_854, %mul3A_948 : i32
      %add3A_950 = arith.constant 1 : i32
      %add3A_951 = arith.addi %mul3A_949, %add3A_950 : i32
      %sub3A_952 = arith.constant 5 : i32
      %sub3A_953 = arith.subi %add3A_951, %sub3A_952 : i32
      %mul3A_954 = arith.constant 80 : i32
      %mul3A_955 = arith.muli %sub3A_953, %mul3A_954 : i32
      %add3A_956 = arith.addi %mul3A_10, %mul3A_955 : i32
      %dma_wait3A_957 = arith.constant 1 : i32
      %dma_wait3A_958 = arith.constant 0 : i32
      %dma_wait3A_959 = arith.constant 0 : i32
      %dma_wait3A_960 = tpu.memref_slice %arg6[%dma_wait3A_957, %dma_wait3A_958, %dma_wait3A_959] : memref<5x80x128xf32, #tpu.memory_space<vmem>> -> memref<1x80x128xf32, #tpu.memory_space<vmem>>
      %dma_wait3A_961 = tpu.memref_squeeze %dma_wait3A_960 : memref<1x80x128xf32, #tpu.memory_space<vmem>> -> memref<80x128xf32, #tpu.memory_space<vmem>>
      %dma_wait3A_962 = arith.constant 0 : i32
      %dma_wait3A_963 = tpu.memref_slice %arg4[%add3A_956, %dma_wait3A_962] : memref<819200x128xf32, #tpu.memory_space<hbm>> -> memref<80x128xf32, #tpu.memory_space<hbm>>
      %dma_wait3A_964 = arith.constant 0 : i32
      %dma_wait3A_965 = tpu.memref_slice %arg4[%add3A_956, %dma_wait3A_964] : memref<819200x128xf32, #tpu.memory_space<hbm>> -> memref<80x128xf32, #tpu.memory_space<hbm>>
      %dma_wait3A_966 = arith.constant 0 : i32
      %dma_wait3A_967 = arith.constant 0 : i32
      %dma_wait3A_968 = tpu.memref_slice %arg6[%dma_wait3A_957, %dma_wait3A_966, %dma_wait3A_967] : memref<5x80x128xf32, #tpu.memory_space<vmem>> -> memref<1x80x128xf32, #tpu.memory_space<vmem>>
      %dma_wait3A_969 = tpu.memref_squeeze %dma_wait3A_968 : memref<1x80x128xf32, #tpu.memory_space<vmem>> -> memref<80x128xf32, #tpu.memory_space<vmem>>
      tpu.wait_dma2 semaphore(%arg19 : memref<!tpu.dma_semaphore, #tpu.memory_space<semaphore_mem>>) src(%dma_wait3A_969 : memref<80x128xf32, #tpu.memory_space<vmem>>) dst(%dma_wait3A_965 : memref<80x128xf32, #tpu.memory_space<hbm>>)
      %add3A_970 = arith.addi %mul3A_8, %add3A_951 : i32
      %dma_wait3A_971 = arith.constant 1 : i32
      %dma_wait3A_972 = arith.constant 0 : i32
      %dma_wait3A_973 = tpu.memref_slice %arg5[%dma_wait3A_971, %dma_wait3A_972] : memref<5x80xi32, #tpu.memory_space<vmem>> -> memref<1x80xi32, #tpu.memory_space<vmem>>
      %dma_wait3A_974 = tpu.memref_squeeze %dma_wait3A_973 : memref<1x80xi32, #tpu.memory_space<vmem>> -> memref<80xi32, #tpu.memory_space<vmem>>
      %dma_wait3A_975 = arith.constant 0 : i32
      %dma_wait3A_976 = tpu.memref_slice %arg3[%add3A_970, %dma_wait3A_975] : memref<10240x80xi32, #tpu.memory_space<hbm>> -> memref<1x80xi32, #tpu.memory_space<hbm>>
      %dma_wait3A_977 = tpu.memref_squeeze %dma_wait3A_976 : memref<1x80xi32, #tpu.memory_space<hbm>> -> memref<80xi32, #tpu.memory_space<hbm>>
      %dma_wait3A_978 = arith.constant 0 : i32
      %dma_wait3A_979 = tpu.memref_slice %arg5[%dma_wait3A_971, %dma_wait3A_978] : memref<5x80xi32, #tpu.memory_space<vmem>> -> memref<1x80xi32, #tpu.memory_space<vmem>>
      %dma_wait3A_980 = tpu.memref_squeeze %dma_wait3A_979 : memref<1x80xi32, #tpu.memory_space<vmem>> -> memref<80xi32, #tpu.memory_space<vmem>>
      %dma_wait3A_981 = arith.constant 0 : i32
      %dma_wait3A_982 = tpu.memref_slice %arg3[%add3A_970, %dma_wait3A_981] : memref<10240x80xi32, #tpu.memory_space<hbm>> -> memref<1x80xi32, #tpu.memory_space<hbm>>
      %dma_wait3A_983 = tpu.memref_squeeze %dma_wait3A_982 : memref<1x80xi32, #tpu.memory_space<hbm>> -> memref<80xi32, #tpu.memory_space<hbm>>
      tpu.wait_dma2 semaphore(%arg9 : memref<!tpu.dma_semaphore, #tpu.memory_space<semaphore_mem>>) src(%dma_wait3A_983 : memref<80xi32, #tpu.memory_space<hbm>>) dst(%dma_wait3A_980 : memref<80xi32, #tpu.memory_space<vmem>>)
      %dma_start3A_984 = arith.constant 1 : i32
      %dma_start3A_985 = arith.constant 1 : i32
      %dma_start3A_986 = arith.constant 0 : i32
      %dma_start3A_987 = arith.constant 0 : i32
      %dma_start3A_988 = tpu.memref_slice %arg6[%dma_start3A_985, %dma_start3A_986, %dma_start3A_987] : memref<5x80x128xf32, #tpu.memory_space<vmem>> -> memref<1x80x128xf32, #tpu.memory_space<vmem>>
      %dma_start3A_989 = tpu.memref_squeeze %dma_start3A_988 : memref<1x80x128xf32, #tpu.memory_space<vmem>> -> memref<80x128xf32, #tpu.memory_space<vmem>>
      %dma_start3A_990 = arith.constant 0 : i32
      %dma_start3A_991 = tpu.memref_slice %arg5[%dma_start3A_984, %dma_start3A_990] : memref<5x80xi32, #tpu.memory_space<vmem>> -> memref<1x80xi32, #tpu.memory_space<vmem>>
      %dma_start3A_992 = tpu.memref_squeeze %dma_start3A_991 : memref<1x80xi32, #tpu.memory_space<vmem>> -> memref<80xi32, #tpu.memory_space<vmem>>
      %dma_start3A_993 = arith.constant 0 : i32
      %dma_start3A_994 = arith.constant 0 : i32
      %dma_start3A_995 = tpu.memref_slice %arg7[%dma_start3A_993, %dma_start3A_994] : memref<8193x128xf32, #tpu.memory_space<vmem_shared>> -> memref<8193x128xf32, #tpu.memory_space<vmem_shared>>
      tpu.enqueue_indirect_dma source(%dma_start3A_995 : memref<8193x128xf32, #tpu.memory_space<vmem_shared>>) target(%dma_start3A_989 : memref<80x128xf32, #tpu.memory_space<vmem>>) offsets(%dma_start3A_992 : memref<80xi32, #tpu.memory_space<vmem>>) semaphore(%arg14 : memref<!tpu.dma_semaphore, #tpu.memory_space<semaphore_mem>>)
      %sub3A_996 = arith.constant 2 : i32
      %sub3A_997 = arith.subi %add3A_951, %sub3A_996 : i32
      %dma_wait3A_998 = arith.constant 4 : i32
      %dma_wait3A_999 = arith.constant 4 : i32
      %dma_wait3A_1000 = arith.constant 0 : i32
      %dma_wait3A_1001 = arith.constant 0 : i32
      %dma_wait3A_1002 = tpu.memref_slice %arg6[%dma_wait3A_999, %dma_wait3A_1000, %dma_wait3A_1001] : memref<5x80x128xf32, #tpu.memory_space<vmem>> -> memref<1x80x128xf32, #tpu.memory_space<vmem>>
      %dma_wait3A_1003 = tpu.memref_squeeze %dma_wait3A_1002 : memref<1x80x128xf32, #tpu.memory_space<vmem>> -> memref<80x128xf32, #tpu.memory_space<vmem>>
      %dma_wait3A_1004 = arith.constant 0 : i32
      %dma_wait3A_1005 = tpu.memref_slice %arg5[%dma_wait3A_998, %dma_wait3A_1004] : memref<5x80xi32, #tpu.memory_space<vmem>> -> memref<1x80xi32, #tpu.memory_space<vmem>>
      %dma_wait3A_1006 = tpu.memref_squeeze %dma_wait3A_1005 : memref<1x80xi32, #tpu.memory_space<vmem>> -> memref<80xi32, #tpu.memory_space<vmem>>
      %dma_wait3A_1007 = arith.constant 0 : i32
      %dma_wait3A_1008 = arith.constant 0 : i32
      %dma_wait3A_1009 = tpu.memref_slice %arg7[%dma_wait3A_1007, %dma_wait3A_1008] : memref<8193x128xf32, #tpu.memory_space<vmem_shared>> -> memref<8193x128xf32, #tpu.memory_space<vmem_shared>>
      tpu.wait_indirect_dma semaphore(%arg17 : memref<!tpu.dma_semaphore, #tpu.memory_space<semaphore_mem>>) src(%dma_wait3A_1009 : memref<8193x128xf32, #tpu.memory_space<vmem_shared>>) dst(%dma_wait3A_1003 : memref<80x128xf32, #tpu.memory_space<vmem>>)
      %mul3A_1010 = arith.constant 80 : i32
      %mul3A_1011 = arith.muli %sub3A_997, %mul3A_1010 : i32
      %add3A_1012 = arith.addi %mul3A_10, %mul3A_1011 : i32
      %dma_start3A_1013 = arith.constant 4 : i32
      %dma_start3A_1014 = arith.constant 0 : i32
      %dma_start3A_1015 = arith.constant 0 : i32
      %dma_start3A_1016 = tpu.memref_slice %arg6[%dma_start3A_1013, %dma_start3A_1014, %dma_start3A_1015] : memref<5x80x128xf32, #tpu.memory_space<vmem>> -> memref<1x80x128xf32, #tpu.memory_space<vmem>>
      %dma_start3A_1017 = tpu.memref_squeeze %dma_start3A_1016 : memref<1x80x128xf32, #tpu.memory_space<vmem>> -> memref<80x128xf32, #tpu.memory_space<vmem>>
      %dma_start3A_1018 = arith.constant 0 : i32
      %dma_start3A_1019 = tpu.memref_slice %arg4[%add3A_1012, %dma_start3A_1018] : memref<819200x128xf32, #tpu.memory_space<hbm>> -> memref<80x128xf32, #tpu.memory_space<hbm>>
      %dma_start3A_1020 = arith.constant 0 : i32
      %dma_start3A_1021 = tpu.memref_slice %arg4[%add3A_1012, %dma_start3A_1020] : memref<819200x128xf32, #tpu.memory_space<hbm>> -> memref<80x128xf32, #tpu.memory_space<hbm>>
      %dma_start3A_1022 = arith.constant 0 : i32
      %dma_start3A_1023 = arith.constant 0 : i32
      %dma_start3A_1024 = tpu.memref_slice %arg6[%dma_start3A_1013, %dma_start3A_1022, %dma_start3A_1023] : memref<5x80x128xf32, #tpu.memory_space<vmem>> -> memref<1x80x128xf32, #tpu.memory_space<vmem>>
      %dma_start3A_1025 = tpu.memref_squeeze %dma_start3A_1024 : memref<1x80x128xf32, #tpu.memory_space<vmem>> -> memref<80x128xf32, #tpu.memory_space<vmem>>
      tpu.enqueue_dma source(%dma_start3A_1025 : memref<80x128xf32, #tpu.memory_space<vmem>>) target(%dma_start3A_1021 : memref<80x128xf32, #tpu.memory_space<hbm>>) target_semaphore(%arg22 : memref<!tpu.dma_semaphore, #tpu.memory_space<semaphore_mem>>)
      %add3A_1026 = arith.constant 3 : i32
      %add3A_1027 = arith.addi %add3A_951, %add3A_1026 : i32
      %add3A_1028 = arith.addi %mul3A_8, %add3A_1027 : i32
      %dma_start3A_1029 = arith.constant 4 : i32
      %dma_start3A_1030 = arith.constant 0 : i32
      %dma_start3A_1031 = tpu.memref_slice %arg5[%dma_start3A_1029, %dma_start3A_1030] : memref<5x80xi32, #tpu.memory_space<vmem>> -> memref<1x80xi32, #tpu.memory_space<vmem>>
      %dma_start3A_1032 = tpu.memref_squeeze %dma_start3A_1031 : memref<1x80xi32, #tpu.memory_space<vmem>> -> memref<80xi32, #tpu.memory_space<vmem>>
      %dma_start3A_1033 = arith.constant 0 : i32
      %dma_start3A_1034 = tpu.memref_slice %arg3[%add3A_1028, %dma_start3A_1033] : memref<10240x80xi32, #tpu.memory_space<hbm>> -> memref<1x80xi32, #tpu.memory_space<hbm>>
      %dma_start3A_1035 = tpu.memref_squeeze %dma_start3A_1034 : memref<1x80xi32, #tpu.memory_space<hbm>> -> memref<80xi32, #tpu.memory_space<hbm>>
      %dma_start3A_1036 = arith.constant 0 : i32
      %dma_start3A_1037 = tpu.memref_slice %arg5[%dma_start3A_1029, %dma_start3A_1036] : memref<5x80xi32, #tpu.memory_space<vmem>> -> memref<1x80xi32, #tpu.memory_space<vmem>>
      %dma_start3A_1038 = tpu.memref_squeeze %dma_start3A_1037 : memref<1x80xi32, #tpu.memory_space<vmem>> -> memref<80xi32, #tpu.memory_space<vmem>>
      %dma_start3A_1039 = arith.constant 0 : i32
      %dma_start3A_1040 = tpu.memref_slice %arg3[%add3A_1028, %dma_start3A_1039] : memref<10240x80xi32, #tpu.memory_space<hbm>> -> memref<1x80xi32, #tpu.memory_space<hbm>>
      %dma_start3A_1041 = tpu.memref_squeeze %dma_start3A_1040 : memref<1x80xi32, #tpu.memory_space<hbm>> -> memref<80xi32, #tpu.memory_space<hbm>>
      tpu.enqueue_dma source(%dma_start3A_1041 : memref<80xi32, #tpu.memory_space<hbm>>) target(%dma_start3A_1038 : memref<80xi32, #tpu.memory_space<vmem>>) target_semaphore(%arg12 : memref<!tpu.dma_semaphore, #tpu.memory_space<semaphore_mem>>)
      %mul3A_1042 = arith.constant 5 : i32
      %mul3A_1043 = arith.muli %scan3A_854, %mul3A_1042 : i32
      %add3A_1044 = arith.constant 2 : i32
      %add3A_1045 = arith.addi %mul3A_1043, %add3A_1044 : i32
      %sub3A_1046 = arith.constant 5 : i32
      %sub3A_1047 = arith.subi %add3A_1045, %sub3A_1046 : i32
      %mul3A_1048 = arith.constant 80 : i32
      %mul3A_1049 = arith.muli %sub3A_1047, %mul3A_1048 : i32
      %add3A_1050 = arith.addi %mul3A_10, %mul3A_1049 : i32
      %dma_wait3A_1051 = arith.constant 2 : i32
      %dma_wait3A_1052 = arith.constant 0 : i32
      %dma_wait3A_1053 = arith.constant 0 : i32
      %dma_wait3A_1054 = tpu.memref_slice %arg6[%dma_wait3A_1051, %dma_wait3A_1052, %dma_wait3A_1053] : memref<5x80x128xf32, #tpu.memory_space<vmem>> -> memref<1x80x128xf32, #tpu.memory_space<vmem>>
      %dma_wait3A_1055 = tpu.memref_squeeze %dma_wait3A_1054 : memref<1x80x128xf32, #tpu.memory_space<vmem>> -> memref<80x128xf32, #tpu.memory_space<vmem>>
      %dma_wait3A_1056 = arith.constant 0 : i32
      %dma_wait3A_1057 = tpu.memref_slice %arg4[%add3A_1050, %dma_wait3A_1056] : memref<819200x128xf32, #tpu.memory_space<hbm>> -> memref<80x128xf32, #tpu.memory_space<hbm>>
      %dma_wait3A_1058 = arith.constant 0 : i32
      %dma_wait3A_1059 = tpu.memref_slice %arg4[%add3A_1050, %dma_wait3A_1058] : memref<819200x128xf32, #tpu.memory_space<hbm>> -> memref<80x128xf32, #tpu.memory_space<hbm>>
      %dma_wait3A_1060 = arith.constant 0 : i32
      %dma_wait3A_1061 = arith.constant 0 : i32
      %dma_wait3A_1062 = tpu.memref_slice %arg6[%dma_wait3A_1051, %dma_wait3A_1060, %dma_wait3A_1061] : memref<5x80x128xf32, #tpu.memory_space<vmem>> -> memref<1x80x128xf32, #tpu.memory_space<vmem>>
      %dma_wait3A_1063 = tpu.memref_squeeze %dma_wait3A_1062 : memref<1x80x128xf32, #tpu.memory_space<vmem>> -> memref<80x128xf32, #tpu.memory_space<vmem>>
      tpu.wait_dma2 semaphore(%arg20 : memref<!tpu.dma_semaphore, #tpu.memory_space<semaphore_mem>>) src(%dma_wait3A_1063 : memref<80x128xf32, #tpu.memory_space<vmem>>) dst(%dma_wait3A_1059 : memref<80x128xf32, #tpu.memory_space<hbm>>)
      %add3A_1064 = arith.addi %mul3A_8, %add3A_1045 : i32
      %dma_wait3A_1065 = arith.constant 2 : i32
      %dma_wait3A_1066 = arith.constant 0 : i32
      %dma_wait3A_1067 = tpu.memref_slice %arg5[%dma_wait3A_1065, %dma_wait3A_1066] : memref<5x80xi32, #tpu.memory_space<vmem>> -> memref<1x80xi32, #tpu.memory_space<vmem>>
      %dma_wait3A_1068 = tpu.memref_squeeze %dma_wait3A_1067 : memref<1x80xi32, #tpu.memory_space<vmem>> -> memref<80xi32, #tpu.memory_space<vmem>>
      %dma_wait3A_1069 = arith.constant 0 : i32
      %dma_wait3A_1070 = tpu.memref_slice %arg3[%add3A_1064, %dma_wait3A_1069] : memref<10240x80xi32, #tpu.memory_space<hbm>> -> memref<1x80xi32, #tpu.memory_space<hbm>>
      %dma_wait3A_1071 = tpu.memref_squeeze %dma_wait3A_1070 : memref<1x80xi32, #tpu.memory_space<hbm>> -> memref<80xi32, #tpu.memory_space<hbm>>
      %dma_wait3A_1072 = arith.constant 0 : i32
      %dma_wait3A_1073 = tpu.memref_slice %arg5[%dma_wait3A_1065, %dma_wait3A_1072] : memref<5x80xi32, #tpu.memory_space<vmem>> -> memref<1x80xi32, #tpu.memory_space<vmem>>
      %dma_wait3A_1074 = tpu.memref_squeeze %dma_wait3A_1073 : memref<1x80xi32, #tpu.memory_space<vmem>> -> memref<80xi32, #tpu.memory_space<vmem>>
      %dma_wait3A_1075 = arith.constant 0 : i32
      %dma_wait3A_1076 = tpu.memref_slice %arg3[%add3A_1064, %dma_wait3A_1075] : memref<10240x80xi32, #tpu.memory_space<hbm>> -> memref<1x80xi32, #tpu.memory_space<hbm>>
      %dma_wait3A_1077 = tpu.memref_squeeze %dma_wait3A_1076 : memref<1x80xi32, #tpu.memory_space<hbm>> -> memref<80xi32, #tpu.memory_space<hbm>>
      tpu.wait_dma2 semaphore(%arg10 : memref<!tpu.dma_semaphore, #tpu.memory_space<semaphore_mem>>) src(%dma_wait3A_1077 : memref<80xi32, #tpu.memory_space<hbm>>) dst(%dma_wait3A_1074 : memref<80xi32, #tpu.memory_space<vmem>>)
      %dma_start3A_1078 = arith.constant 2 : i32
      %dma_start3A_1079 = arith.constant 2 : i32
      %dma_start3A_1080 = arith.constant 0 : i32
      %dma_start3A_1081 = arith.constant 0 : i32
      %dma_start3A_1082 = tpu.memref_slice %arg6[%dma_start3A_1079, %dma_start3A_1080, %dma_start3A_1081] : memref<5x80x128xf32, #tpu.memory_space<vmem>> -> memref<1x80x128xf32, #tpu.memory_space<vmem>>
      %dma_start3A_1083 = tpu.memref_squeeze %dma_start3A_1082 : memref<1x80x128xf32, #tpu.memory_space<vmem>> -> memref<80x128xf32, #tpu.memory_space<vmem>>
      %dma_start3A_1084 = arith.constant 0 : i32
      %dma_start3A_1085 = tpu.memref_slice %arg5[%dma_start3A_1078, %dma_start3A_1084] : memref<5x80xi32, #tpu.memory_space<vmem>> -> memref<1x80xi32, #tpu.memory_space<vmem>>
      %dma_start3A_1086 = tpu.memref_squeeze %dma_start3A_1085 : memref<1x80xi32, #tpu.memory_space<vmem>> -> memref<80xi32, #tpu.memory_space<vmem>>
      %dma_start3A_1087 = arith.constant 0 : i32
      %dma_start3A_1088 = arith.constant 0 : i32
      %dma_start3A_1089 = tpu.memref_slice %arg7[%dma_start3A_1087, %dma_start3A_1088] : memref<8193x128xf32, #tpu.memory_space<vmem_shared>> -> memref<8193x128xf32, #tpu.memory_space<vmem_shared>>
      tpu.enqueue_indirect_dma source(%dma_start3A_1089 : memref<8193x128xf32, #tpu.memory_space<vmem_shared>>) target(%dma_start3A_1083 : memref<80x128xf32, #tpu.memory_space<vmem>>) offsets(%dma_start3A_1086 : memref<80xi32, #tpu.memory_space<vmem>>) semaphore(%arg15 : memref<!tpu.dma_semaphore, #tpu.memory_space<semaphore_mem>>)
      %sub3A_1090 = arith.constant 2 : i32
      %sub3A_1091 = arith.subi %add3A_1045, %sub3A_1090 : i32
      %dma_wait3A_1092 = arith.constant 0 : i32
      %dma_wait3A_1093 = arith.constant 0 : i32
      %dma_wait3A_1094 = arith.constant 0 : i32
      %dma_wait3A_1095 = arith.constant 0 : i32
      %dma_wait3A_1096 = tpu.memref_slice %arg6[%dma_wait3A_1093, %dma_wait3A_1094, %dma_wait3A_1095] : memref<5x80x128xf32, #tpu.memory_space<vmem>> -> memref<1x80x128xf32, #tpu.memory_space<vmem>>
      %dma_wait3A_1097 = tpu.memref_squeeze %dma_wait3A_1096 : memref<1x80x128xf32, #tpu.memory_space<vmem>> -> memref<80x128xf32, #tpu.memory_space<vmem>>
      %dma_wait3A_1098 = arith.constant 0 : i32
      %dma_wait3A_1099 = tpu.memref_slice %arg5[%dma_wait3A_1092, %dma_wait3A_1098] : memref<5x80xi32, #tpu.memory_space<vmem>> -> memref<1x80xi32, #tpu.memory_space<vmem>>
      %dma_wait3A_1100 = tpu.memref_squeeze %dma_wait3A_1099 : memref<1x80xi32, #tpu.memory_space<vmem>> -> memref<80xi32, #tpu.memory_space<vmem>>
      %dma_wait3A_1101 = arith.constant 0 : i32
      %dma_wait3A_1102 = arith.constant 0 : i32
      %dma_wait3A_1103 = tpu.memref_slice %arg7[%dma_wait3A_1101, %dma_wait3A_1102] : memref<8193x128xf32, #tpu.memory_space<vmem_shared>> -> memref<8193x128xf32, #tpu.memory_space<vmem_shared>>
      tpu.wait_indirect_dma semaphore(%arg13 : memref<!tpu.dma_semaphore, #tpu.memory_space<semaphore_mem>>) src(%dma_wait3A_1103 : memref<8193x128xf32, #tpu.memory_space<vmem_shared>>) dst(%dma_wait3A_1097 : memref<80x128xf32, #tpu.memory_space<vmem>>)
      %mul3A_1104 = arith.constant 80 : i32
      %mul3A_1105 = arith.muli %sub3A_1091, %mul3A_1104 : i32
      %add3A_1106 = arith.addi %mul3A_10, %mul3A_1105 : i32
      %dma_start3A_1107 = arith.constant 0 : i32
      %dma_start3A_1108 = arith.constant 0 : i32
      %dma_start3A_1109 = arith.constant 0 : i32
      %dma_start3A_1110 = tpu.memref_slice %arg6[%dma_start3A_1107, %dma_start3A_1108, %dma_start3A_1109] : memref<5x80x128xf32, #tpu.memory_space<vmem>> -> memref<1x80x128xf32, #tpu.memory_space<vmem>>
      %dma_start3A_1111 = tpu.memref_squeeze %dma_start3A_1110 : memref<1x80x128xf32, #tpu.memory_space<vmem>> -> memref<80x128xf32, #tpu.memory_space<vmem>>
      %dma_start3A_1112 = arith.constant 0 : i32
      %dma_start3A_1113 = tpu.memref_slice %arg4[%add3A_1106, %dma_start3A_1112] : memref<819200x128xf32, #tpu.memory_space<hbm>> -> memref<80x128xf32, #tpu.memory_space<hbm>>
      %dma_start3A_1114 = arith.constant 0 : i32
      %dma_start3A_1115 = tpu.memref_slice %arg4[%add3A_1106, %dma_start3A_1114] : memref<819200x128xf32, #tpu.memory_space<hbm>> -> memref<80x128xf32, #tpu.memory_space<hbm>>
      %dma_start3A_1116 = arith.constant 0 : i32
      %dma_start3A_1117 = arith.constant 0 : i32
      %dma_start3A_1118 = tpu.memref_slice %arg6[%dma_start3A_1107, %dma_start3A_1116, %dma_start3A_1117] : memref<5x80x128xf32, #tpu.memory_space<vmem>> -> memref<1x80x128xf32, #tpu.memory_space<vmem>>
      %dma_start3A_1119 = tpu.memref_squeeze %dma_start3A_1118 : memref<1x80x128xf32, #tpu.memory_space<vmem>> -> memref<80x128xf32, #tpu.memory_space<vmem>>
      tpu.enqueue_dma source(%dma_start3A_1119 : memref<80x128xf32, #tpu.memory_space<vmem>>) target(%dma_start3A_1115 : memref<80x128xf32, #tpu.memory_space<hbm>>) target_semaphore(%arg18 : memref<!tpu.dma_semaphore, #tpu.memory_space<semaphore_mem>>)
      %add3A_1120 = arith.constant 3 : i32
      %add3A_1121 = arith.addi %add3A_1045, %add3A_1120 : i32
      %add3A_1122 = arith.addi %mul3A_8, %add3A_1121 : i32
      %dma_start3A_1123 = arith.constant 0 : i32
      %dma_start3A_1124 = arith.constant 0 : i32
      %dma_start3A_1125 = tpu.memref_slice %arg5[%dma_start3A_1123, %dma_start3A_1124] : memref<5x80xi32, #tpu.memory_space<vmem>> -> memref<1x80xi32, #tpu.memory_space<vmem>>
      %dma_start3A_1126 = tpu.memref_squeeze %dma_start3A_1125 : memref<1x80xi32, #tpu.memory_space<vmem>> -> memref<80xi32, #tpu.memory_space<vmem>>
      %dma_start3A_1127 = arith.constant 0 : i32
      %dma_start3A_1128 = tpu.memref_slice %arg3[%add3A_1122, %dma_start3A_1127] : memref<10240x80xi32, #tpu.memory_space<hbm>> -> memref<1x80xi32, #tpu.memory_space<hbm>>
      %dma_start3A_1129 = tpu.memref_squeeze %dma_start3A_1128 : memref<1x80xi32, #tpu.memory_space<hbm>> -> memref<80xi32, #tpu.memory_space<hbm>>
      %dma_start3A_1130 = arith.constant 0 : i32
      %dma_start3A_1131 = tpu.memref_slice %arg5[%dma_start3A_1123, %dma_start3A_1130] : memref<5x80xi32, #tpu.memory_space<vmem>> -> memref<1x80xi32, #tpu.memory_space<vmem>>
      %dma_start3A_1132 = tpu.memref_squeeze %dma_start3A_1131 : memref<1x80xi32, #tpu.memory_space<vmem>> -> memref<80xi32, #tpu.memory_space<vmem>>
      %dma_start3A_1133 = arith.constant 0 : i32
      %dma_start3A_1134 = tpu.memref_slice %arg3[%add3A_1122, %dma_start3A_1133] : memref<10240x80xi32, #tpu.memory_space<hbm>> -> memref<1x80xi32, #tpu.memory_space<hbm>>
      %dma_start3A_1135 = tpu.memref_squeeze %dma_start3A_1134 : memref<1x80xi32, #tpu.memory_space<hbm>> -> memref<80xi32, #tpu.memory_space<hbm>>
      tpu.enqueue_dma source(%dma_start3A_1135 : memref<80xi32, #tpu.memory_space<hbm>>) target(%dma_start3A_1132 : memref<80xi32, #tpu.memory_space<vmem>>) target_semaphore(%arg8 : memref<!tpu.dma_semaphore, #tpu.memory_space<semaphore_mem>>)
      %mul3A_1136 = arith.constant 5 : i32
      %mul3A_1137 = arith.muli %scan3A_854, %mul3A_1136 : i32
      %add3A_1138 = arith.constant 3 : i32
      %add3A_1139 = arith.addi %mul3A_1137, %add3A_1138 : i32
      %sub3A_1140 = arith.constant 5 : i32
      %sub3A_1141 = arith.subi %add3A_1139, %sub3A_1140 : i32
      %mul3A_1142 = arith.constant 80 : i32
      %mul3A_1143 = arith.muli %sub3A_1141, %mul3A_1142 : i32
      %add3A_1144 = arith.addi %mul3A_10, %mul3A_1143 : i32
      %dma_wait3A_1145 = arith.constant 3 : i32
      %dma_wait3A_1146 = arith.constant 0 : i32
      %dma_wait3A_1147 = arith.constant 0 : i32
      %dma_wait3A_1148 = tpu.memref_slice %arg6[%dma_wait3A_1145, %dma_wait3A_1146, %dma_wait3A_1147] : memref<5x80x128xf32, #tpu.memory_space<vmem>> -> memref<1x80x128xf32, #tpu.memory_space<vmem>>
      %dma_wait3A_1149 = tpu.memref_squeeze %dma_wait3A_1148 : memref<1x80x128xf32, #tpu.memory_space<vmem>> -> memref<80x128xf32, #tpu.memory_space<vmem>>
      %dma_wait3A_1150 = arith.constant 0 : i32
      %dma_wait3A_1151 = tpu.memref_slice %arg4[%add3A_1144, %dma_wait3A_1150] : memref<819200x128xf32, #tpu.memory_space<hbm>> -> memref<80x128xf32, #tpu.memory_space<hbm>>
      %dma_wait3A_1152 = arith.constant 0 : i32
      %dma_wait3A_1153 = tpu.memref_slice %arg4[%add3A_1144, %dma_wait3A_1152] : memref<819200x128xf32, #tpu.memory_space<hbm>> -> memref<80x128xf32, #tpu.memory_space<hbm>>
      %dma_wait3A_1154 = arith.constant 0 : i32
      %dma_wait3A_1155 = arith.constant 0 : i32
      %dma_wait3A_1156 = tpu.memref_slice %arg6[%dma_wait3A_1145, %dma_wait3A_1154, %dma_wait3A_1155] : memref<5x80x128xf32, #tpu.memory_space<vmem>> -> memref<1x80x128xf32, #tpu.memory_space<vmem>>
      %dma_wait3A_1157 = tpu.memref_squeeze %dma_wait3A_1156 : memref<1x80x128xf32, #tpu.memory_space<vmem>> -> memref<80x128xf32, #tpu.memory_space<vmem>>
      tpu.wait_dma2 semaphore(%arg21 : memref<!tpu.dma_semaphore, #tpu.memory_space<semaphore_mem>>) src(%dma_wait3A_1157 : memref<80x128xf32, #tpu.memory_space<vmem>>) dst(%dma_wait3A_1153 : memref<80x128xf32, #tpu.memory_space<hbm>>)
      %add3A_1158 = arith.addi %mul3A_8, %add3A_1139 : i32
      %dma_wait3A_1159 = arith.constant 3 : i32
      %dma_wait3A_1160 = arith.constant 0 : i32
      %dma_wait3A_1161 = tpu.memref_slice %arg5[%dma_wait3A_1159, %dma_wait3A_1160] : memref<5x80xi32, #tpu.memory_space<vmem>> -> memref<1x80xi32, #tpu.memory_space<vmem>>
      %dma_wait3A_1162 = tpu.memref_squeeze %dma_wait3A_1161 : memref<1x80xi32, #tpu.memory_space<vmem>> -> memref<80xi32, #tpu.memory_space<vmem>>
      %dma_wait3A_1163 = arith.constant 0 : i32
      %dma_wait3A_1164 = tpu.memref_slice %arg3[%add3A_1158, %dma_wait3A_1163] : memref<10240x80xi32, #tpu.memory_space<hbm>> -> memref<1x80xi32, #tpu.memory_space<hbm>>
      %dma_wait3A_1165 = tpu.memref_squeeze %dma_wait3A_1164 : memref<1x80xi32, #tpu.memory_space<hbm>> -> memref<80xi32, #tpu.memory_space<hbm>>
      %dma_wait3A_1166 = arith.constant 0 : i32
      %dma_wait3A_1167 = tpu.memref_slice %arg5[%dma_wait3A_1159, %dma_wait3A_1166] : memref<5x80xi32, #tpu.memory_space<vmem>> -> memref<1x80xi32, #tpu.memory_space<vmem>>
      %dma_wait3A_1168 = tpu.memref_squeeze %dma_wait3A_1167 : memref<1x80xi32, #tpu.memory_space<vmem>> -> memref<80xi32, #tpu.memory_space<vmem>>
      %dma_wait3A_1169 = arith.constant 0 : i32
      %dma_wait3A_1170 = tpu.memref_slice %arg3[%add3A_1158, %dma_wait3A_1169] : memref<10240x80xi32, #tpu.memory_space<hbm>> -> memref<1x80xi32, #tpu.memory_space<hbm>>
      %dma_wait3A_1171 = tpu.memref_squeeze %dma_wait3A_1170 : memref<1x80xi32, #tpu.memory_space<hbm>> -> memref<80xi32, #tpu.memory_space<hbm>>
      tpu.wait_dma2 semaphore(%arg11 : memref<!tpu.dma_semaphore, #tpu.memory_space<semaphore_mem>>) src(%dma_wait3A_1171 : memref<80xi32, #tpu.memory_space<hbm>>) dst(%dma_wait3A_1168 : memref<80xi32, #tpu.memory_space<vmem>>)
      %dma_start3A_1172 = arith.constant 3 : i32
      %dma_start3A_1173 = arith.constant 3 : i32
      %dma_start3A_1174 = arith.constant 0 : i32
      %dma_start3A_1175 = arith.constant 0 : i32
      %dma_start3A_1176 = tpu.memref_slice %arg6[%dma_start3A_1173, %dma_start3A_1174, %dma_start3A_1175] : memref<5x80x128xf32, #tpu.memory_space<vmem>> -> memref<1x80x128xf32, #tpu.memory_space<vmem>>
      %dma_start3A_1177 = tpu.memref_squeeze %dma_start3A_1176 : memref<1x80x128xf32, #tpu.memory_space<vmem>> -> memref<80x128xf32, #tpu.memory_space<vmem>>
      %dma_start3A_1178 = arith.constant 0 : i32
      %dma_start3A_1179 = tpu.memref_slice %arg5[%dma_start3A_1172, %dma_start3A_1178] : memref<5x80xi32, #tpu.memory_space<vmem>> -> memref<1x80xi32, #tpu.memory_space<vmem>>
      %dma_start3A_1180 = tpu.memref_squeeze %dma_start3A_1179 : memref<1x80xi32, #tpu.memory_space<vmem>> -> memref<80xi32, #tpu.memory_space<vmem>>
      %dma_start3A_1181 = arith.constant 0 : i32
      %dma_start3A_1182 = arith.constant 0 : i32
      %dma_start3A_1183 = tpu.memref_slice %arg7[%dma_start3A_1181, %dma_start3A_1182] : memref<8193x128xf32, #tpu.memory_space<vmem_shared>> -> memref<8193x128xf32, #tpu.memory_space<vmem_shared>>
      tpu.enqueue_indirect_dma source(%dma_start3A_1183 : memref<8193x128xf32, #tpu.memory_space<vmem_shared>>) target(%dma_start3A_1177 : memref<80x128xf32, #tpu.memory_space<vmem>>) offsets(%dma_start3A_1180 : memref<80xi32, #tpu.memory_space<vmem>>) semaphore(%arg16 : memref<!tpu.dma_semaphore, #tpu.memory_space<semaphore_mem>>)
      %sub3A_1184 = arith.constant 2 : i32
      %sub3A_1185 = arith.subi %add3A_1139, %sub3A_1184 : i32
      %dma_wait3A_1186 = arith.constant 1 : i32
      %dma_wait3A_1187 = arith.constant 1 : i32
      %dma_wait3A_1188 = arith.constant 0 : i32
      %dma_wait3A_1189 = arith.constant 0 : i32
      %dma_wait3A_1190 = tpu.memref_slice %arg6[%dma_wait3A_1187, %dma_wait3A_1188, %dma_wait3A_1189] : memref<5x80x128xf32, #tpu.memory_space<vmem>> -> memref<1x80x128xf32, #tpu.memory_space<vmem>>
      %dma_wait3A_1191 = tpu.memref_squeeze %dma_wait3A_1190 : memref<1x80x128xf32, #tpu.memory_space<vmem>> -> memref<80x128xf32, #tpu.memory_space<vmem>>
      %dma_wait3A_1192 = arith.constant 0 : i32
      %dma_wait3A_1193 = tpu.memref_slice %arg5[%dma_wait3A_1186, %dma_wait3A_1192] : memref<5x80xi32, #tpu.memory_space<vmem>> -> memref<1x80xi32, #tpu.memory_space<vmem>>
      %dma_wait3A_1194 = tpu.memref_squeeze %dma_wait3A_1193 : memref<1x80xi32, #tpu.memory_space<vmem>> -> memref<80xi32, #tpu.memory_space<vmem>>
      %dma_wait3A_1195 = arith.constant 0 : i32
      %dma_wait3A_1196 = arith.constant 0 : i32
      %dma_wait3A_1197 = tpu.memref_slice %arg7[%dma_wait3A_1195, %dma_wait3A_1196] : memref<8193x128xf32, #tpu.memory_space<vmem_shared>> -> memref<8193x128xf32, #tpu.memory_space<vmem_shared>>
      tpu.wait_indirect_dma semaphore(%arg14 : memref<!tpu.dma_semaphore, #tpu.memory_space<semaphore_mem>>) src(%dma_wait3A_1197 : memref<8193x128xf32, #tpu.memory_space<vmem_shared>>) dst(%dma_wait3A_1191 : memref<80x128xf32, #tpu.memory_space<vmem>>)
      %mul3A_1198 = arith.constant 80 : i32
      %mul3A_1199 = arith.muli %sub3A_1185, %mul3A_1198 : i32
      %add3A_1200 = arith.addi %mul3A_10, %mul3A_1199 : i32
      %dma_start3A_1201 = arith.constant 1 : i32
      %dma_start3A_1202 = arith.constant 0 : i32
      %dma_start3A_1203 = arith.constant 0 : i32
      %dma_start3A_1204 = tpu.memref_slice %arg6[%dma_start3A_1201, %dma_start3A_1202, %dma_start3A_1203] : memref<5x80x128xf32, #tpu.memory_space<vmem>> -> memref<1x80x128xf32, #tpu.memory_space<vmem>>
      %dma_start3A_1205 = tpu.memref_squeeze %dma_start3A_1204 : memref<1x80x128xf32, #tpu.memory_space<vmem>> -> memref<80x128xf32, #tpu.memory_space<vmem>>
      %dma_start3A_1206 = arith.constant 0 : i32
      %dma_start3A_1207 = tpu.memref_slice %arg4[%add3A_1200, %dma_start3A_1206] : memref<819200x128xf32, #tpu.memory_space<hbm>> -> memref<80x128xf32, #tpu.memory_space<hbm>>
      %dma_start3A_1208 = arith.constant 0 : i32
      %dma_start3A_1209 = tpu.memref_slice %arg4[%add3A_1200, %dma_start3A_1208] : memref<819200x128xf32, #tpu.memory_space<hbm>> -> memref<80x128xf32, #tpu.memory_space<hbm>>
      %dma_start3A_1210 = arith.constant 0 : i32
      %dma_start3A_1211 = arith.constant 0 : i32
      %dma_start3A_1212 = tpu.memref_slice %arg6[%dma_start3A_1201, %dma_start3A_1210, %dma_start3A_1211] : memref<5x80x128xf32, #tpu.memory_space<vmem>> -> memref<1x80x128xf32, #tpu.memory_space<vmem>>
      %dma_start3A_1213 = tpu.memref_squeeze %dma_start3A_1212 : memref<1x80x128xf32, #tpu.memory_space<vmem>> -> memref<80x128xf32, #tpu.memory_space<vmem>>
      tpu.enqueue_dma source(%dma_start3A_1213 : memref<80x128xf32, #tpu.memory_space<vmem>>) target(%dma_start3A_1209 : memref<80x128xf32, #tpu.memory_space<hbm>>) target_semaphore(%arg19 : memref<!tpu.dma_semaphore, #tpu.memory_space<semaphore_mem>>)
      %add3A_1214 = arith.constant 3 : i32
      %add3A_1215 = arith.addi %add3A_1139, %add3A_1214 : i32
      %add3A_1216 = arith.addi %mul3A_8, %add3A_1215 : i32
      %dma_start3A_1217 = arith.constant 1 : i32
      %dma_start3A_1218 = arith.constant 0 : i32
      %dma_start3A_1219 = tpu.memref_slice %arg5[%dma_start3A_1217, %dma_start3A_1218] : memref<5x80xi32, #tpu.memory_space<vmem>> -> memref<1x80xi32, #tpu.memory_space<vmem>>
      %dma_start3A_1220 = tpu.memref_squeeze %dma_start3A_1219 : memref<1x80xi32, #tpu.memory_space<vmem>> -> memref<80xi32, #tpu.memory_space<vmem>>
      %dma_start3A_1221 = arith.constant 0 : i32
      %dma_start3A_1222 = tpu.memref_slice %arg3[%add3A_1216, %dma_start3A_1221] : memref<10240x80xi32, #tpu.memory_space<hbm>> -> memref<1x80xi32, #tpu.memory_space<hbm>>
      %dma_start3A_1223 = tpu.memref_squeeze %dma_start3A_1222 : memref<1x80xi32, #tpu.memory_space<hbm>> -> memref<80xi32, #tpu.memory_space<hbm>>
      %dma_start3A_1224 = arith.constant 0 : i32
      %dma_start3A_1225 = tpu.memref_slice %arg5[%dma_start3A_1217, %dma_start3A_1224] : memref<5x80xi32, #tpu.memory_space<vmem>> -> memref<1x80xi32, #tpu.memory_space<vmem>>
      %dma_start3A_1226 = tpu.memref_squeeze %dma_start3A_1225 : memref<1x80xi32, #tpu.memory_space<vmem>> -> memref<80xi32, #tpu.memory_space<vmem>>
      %dma_start3A_1227 = arith.constant 0 : i32
      %dma_start3A_1228 = tpu.memref_slice %arg3[%add3A_1216, %dma_start3A_1227] : memref<10240x80xi32, #tpu.memory_space<hbm>> -> memref<1x80xi32, #tpu.memory_space<hbm>>
      %dma_start3A_1229 = tpu.memref_squeeze %dma_start3A_1228 : memref<1x80xi32, #tpu.memory_space<hbm>> -> memref<80xi32, #tpu.memory_space<hbm>>
      tpu.enqueue_dma source(%dma_start3A_1229 : memref<80xi32, #tpu.memory_space<hbm>>) target(%dma_start3A_1226 : memref<80xi32, #tpu.memory_space<vmem>>) target_semaphore(%arg9 : memref<!tpu.dma_semaphore, #tpu.memory_space<semaphore_mem>>)
      %mul3A_1230 = arith.constant 5 : i32
      %mul3A_1231 = arith.muli %scan3A_854, %mul3A_1230 : i32
      %add3A_1232 = arith.constant 4 : i32
      %add3A_1233 = arith.addi %mul3A_1231, %add3A_1232 : i32
      %sub3A_1234 = arith.constant 5 : i32
      %sub3A_1235 = arith.subi %add3A_1233, %sub3A_1234 : i32
      %mul3A_1236 = arith.constant 80 : i32
      %mul3A_1237 = arith.muli %sub3A_1235, %mul3A_1236 : i32
      %add3A_1238 = arith.addi %mul3A_10, %mul3A_1237 : i32
      %dma_wait3A_1239 = arith.constant 4 : i32
      %dma_wait3A_1240 = arith.constant 0 : i32
      %dma_wait3A_1241 = arith.constant 0 : i32
      %dma_wait3A_1242 = tpu.memref_slice %arg6[%dma_wait3A_1239, %dma_wait3A_1240, %dma_wait3A_1241] : memref<5x80x128xf32, #tpu.memory_space<vmem>> -> memref<1x80x128xf32, #tpu.memory_space<vmem>>
      %dma_wait3A_1243 = tpu.memref_squeeze %dma_wait3A_1242 : memref<1x80x128xf32, #tpu.memory_space<vmem>> -> memref<80x128xf32, #tpu.memory_space<vmem>>
      %dma_wait3A_1244 = arith.constant 0 : i32
      %dma_wait3A_1245 = tpu.memref_slice %arg4[%add3A_1238, %dma_wait3A_1244] : memref<819200x128xf32, #tpu.memory_space<hbm>> -> memref<80x128xf32, #tpu.memory_space<hbm>>
      %dma_wait3A_1246 = arith.constant 0 : i32
      %dma_wait3A_1247 = tpu.memref_slice %arg4[%add3A_1238, %dma_wait3A_1246] : memref<819200x128xf32, #tpu.memory_space<hbm>> -> memref<80x128xf32, #tpu.memory_space<hbm>>
      %dma_wait3A_1248 = arith.constant 0 : i32
      %dma_wait3A_1249 = arith.constant 0 : i32
      %dma_wait3A_1250 = tpu.memref_slice %arg6[%dma_wait3A_1239, %dma_wait3A_1248, %dma_wait3A_1249] : memref<5x80x128xf32, #tpu.memory_space<vmem>> -> memref<1x80x128xf32, #tpu.memory_space<vmem>>
      %dma_wait3A_1251 = tpu.memref_squeeze %dma_wait3A_1250 : memref<1x80x128xf32, #tpu.memory_space<vmem>> -> memref<80x128xf32, #tpu.memory_space<vmem>>
      tpu.wait_dma2 semaphore(%arg22 : memref<!tpu.dma_semaphore, #tpu.memory_space<semaphore_mem>>) src(%dma_wait3A_1251 : memref<80x128xf32, #tpu.memory_space<vmem>>) dst(%dma_wait3A_1247 : memref<80x128xf32, #tpu.memory_space<hbm>>)
      %add3A_1252 = arith.addi %mul3A_8, %add3A_1233 : i32
      %dma_wait3A_1253 = arith.constant 4 : i32
      %dma_wait3A_1254 = arith.constant 0 : i32
      %dma_wait3A_1255 = tpu.memref_slice %arg5[%dma_wait3A_1253, %dma_wait3A_1254] : memref<5x80xi32, #tpu.memory_space<vmem>> -> memref<1x80xi32, #tpu.memory_space<vmem>>
      %dma_wait3A_1256 = tpu.memref_squeeze %dma_wait3A_1255 : memref<1x80xi32, #tpu.memory_space<vmem>> -> memref<80xi32, #tpu.memory_space<vmem>>
      %dma_wait3A_1257 = arith.constant 0 : i32
      %dma_wait3A_1258 = tpu.memref_slice %arg3[%add3A_1252, %dma_wait3A_1257] : memref<10240x80xi32, #tpu.memory_space<hbm>> -> memref<1x80xi32, #tpu.memory_space<hbm>>
      %dma_wait3A_1259 = tpu.memref_squeeze %dma_wait3A_1258 : memref<1x80xi32, #tpu.memory_space<hbm>> -> memref<80xi32, #tpu.memory_space<hbm>>
      %dma_wait3A_1260 = arith.constant 0 : i32
      %dma_wait3A_1261 = tpu.memref_slice %arg5[%dma_wait3A_1253, %dma_wait3A_1260] : memref<5x80xi32, #tpu.memory_space<vmem>> -> memref<1x80xi32, #tpu.memory_space<vmem>>
      %dma_wait3A_1262 = tpu.memref_squeeze %dma_wait3A_1261 : memref<1x80xi32, #tpu.memory_space<vmem>> -> memref<80xi32, #tpu.memory_space<vmem>>
      %dma_wait3A_1263 = arith.constant 0 : i32
      %dma_wait3A_1264 = tpu.memref_slice %arg3[%add3A_1252, %dma_wait3A_1263] : memref<10240x80xi32, #tpu.memory_space<hbm>> -> memref<1x80xi32, #tpu.memory_space<hbm>>
      %dma_wait3A_1265 = tpu.memref_squeeze %dma_wait3A_1264 : memref<1x80xi32, #tpu.memory_space<hbm>> -> memref<80xi32, #tpu.memory_space<hbm>>
      tpu.wait_dma2 semaphore(%arg12 : memref<!tpu.dma_semaphore, #tpu.memory_space<semaphore_mem>>) src(%dma_wait3A_1265 : memref<80xi32, #tpu.memory_space<hbm>>) dst(%dma_wait3A_1262 : memref<80xi32, #tpu.memory_space<vmem>>)
      %dma_start3A_1266 = arith.constant 4 : i32
      %dma_start3A_1267 = arith.constant 4 : i32
      %dma_start3A_1268 = arith.constant 0 : i32
      %dma_start3A_1269 = arith.constant 0 : i32
      %dma_start3A_1270 = tpu.memref_slice %arg6[%dma_start3A_1267, %dma_start3A_1268, %dma_start3A_1269] : memref<5x80x128xf32, #tpu.memory_space<vmem>> -> memref<1x80x128xf32, #tpu.memory_space<vmem>>
      %dma_start3A_1271 = tpu.memref_squeeze %dma_start3A_1270 : memref<1x80x128xf32, #tpu.memory_space<vmem>> -> memref<80x128xf32, #tpu.memory_space<vmem>>
      %dma_start3A_1272 = arith.constant 0 : i32
      %dma_start3A_1273 = tpu.memref_slice %arg5[%dma_start3A_1266, %dma_start3A_1272] : memref<5x80xi32, #tpu.memory_space<vmem>> -> memref<1x80xi32, #tpu.memory_space<vmem>>
      %dma_start3A_1274 = tpu.memref_squeeze %dma_start3A_1273 : memref<1x80xi32, #tpu.memory_space<vmem>> -> memref<80xi32, #tpu.memory_space<vmem>>
      %dma_start3A_1275 = arith.constant 0 : i32
      %dma_start3A_1276 = arith.constant 0 : i32
      %dma_start3A_1277 = tpu.memref_slice %arg7[%dma_start3A_1275, %dma_start3A_1276] : memref<8193x128xf32, #tpu.memory_space<vmem_shared>> -> memref<8193x128xf32, #tpu.memory_space<vmem_shared>>
      tpu.enqueue_indirect_dma source(%dma_start3A_1277 : memref<8193x128xf32, #tpu.memory_space<vmem_shared>>) target(%dma_start3A_1271 : memref<80x128xf32, #tpu.memory_space<vmem>>) offsets(%dma_start3A_1274 : memref<80xi32, #tpu.memory_space<vmem>>) semaphore(%arg17 : memref<!tpu.dma_semaphore, #tpu.memory_space<semaphore_mem>>)
      %sub3A_1278 = arith.constant 2 : i32
      %sub3A_1279 = arith.subi %add3A_1233, %sub3A_1278 : i32
      %dma_wait3A_1280 = arith.constant 2 : i32
      %dma_wait3A_1281 = arith.constant 2 : i32
      %dma_wait3A_1282 = arith.constant 0 : i32
      %dma_wait3A_1283 = arith.constant 0 : i32
      %dma_wait3A_1284 = tpu.memref_slice %arg6[%dma_wait3A_1281, %dma_wait3A_1282, %dma_wait3A_1283] : memref<5x80x128xf32, #tpu.memory_space<vmem>> -> memref<1x80x128xf32, #tpu.memory_space<vmem>>
      %dma_wait3A_1285 = tpu.memref_squeeze %dma_wait3A_1284 : memref<1x80x128xf32, #tpu.memory_space<vmem>> -> memref<80x128xf32, #tpu.memory_space<vmem>>
      %dma_wait3A_1286 = arith.constant 0 : i32
      %dma_wait3A_1287 = tpu.memref_slice %arg5[%dma_wait3A_1280, %dma_wait3A_1286] : memref<5x80xi32, #tpu.memory_space<vmem>> -> memref<1x80xi32, #tpu.memory_space<vmem>>
      %dma_wait3A_1288 = tpu.memref_squeeze %dma_wait3A_1287 : memref<1x80xi32, #tpu.memory_space<vmem>> -> memref<80xi32, #tpu.memory_space<vmem>>
      %dma_wait3A_1289 = arith.constant 0 : i32
      %dma_wait3A_1290 = arith.constant 0 : i32
      %dma_wait3A_1291 = tpu.memref_slice %arg7[%dma_wait3A_1289, %dma_wait3A_1290] : memref<8193x128xf32, #tpu.memory_space<vmem_shared>> -> memref<8193x128xf32, #tpu.memory_space<vmem_shared>>
      tpu.wait_indirect_dma semaphore(%arg15 : memref<!tpu.dma_semaphore, #tpu.memory_space<semaphore_mem>>) src(%dma_wait3A_1291 : memref<8193x128xf32, #tpu.memory_space<vmem_shared>>) dst(%dma_wait3A_1285 : memref<80x128xf32, #tpu.memory_space<vmem>>)
      %mul3A_1292 = arith.constant 80 : i32
      %mul3A_1293 = arith.muli %sub3A_1279, %mul3A_1292 : i32
      %add3A_1294 = arith.addi %mul3A_10, %mul3A_1293 : i32
      %dma_start3A_1295 = arith.constant 2 : i32
      %dma_start3A_1296 = arith.constant 0 : i32
      %dma_start3A_1297 = arith.constant 0 : i32
      %dma_start3A_1298 = tpu.memref_slice %arg6[%dma_start3A_1295, %dma_start3A_1296, %dma_start3A_1297] : memref<5x80x128xf32, #tpu.memory_space<vmem>> -> memref<1x80x128xf32, #tpu.memory_space<vmem>>
      %dma_start3A_1299 = tpu.memref_squeeze %dma_start3A_1298 : memref<1x80x128xf32, #tpu.memory_space<vmem>> -> memref<80x128xf32, #tpu.memory_space<vmem>>
      %dma_start3A_1300 = arith.constant 0 : i32
      %dma_start3A_1301 = tpu.memref_slice %arg4[%add3A_1294, %dma_start3A_1300] : memref<819200x128xf32, #tpu.memory_space<hbm>> -> memref<80x128xf32, #tpu.memory_space<hbm>>
      %dma_start3A_1302 = arith.constant 0 : i32
      %dma_start3A_1303 = tpu.memref_slice %arg4[%add3A_1294, %dma_start3A_1302] : memref<819200x128xf32, #tpu.memory_space<hbm>> -> memref<80x128xf32, #tpu.memory_space<hbm>>
      %dma_start3A_1304 = arith.constant 0 : i32
      %dma_start3A_1305 = arith.constant 0 : i32
      %dma_start3A_1306 = tpu.memref_slice %arg6[%dma_start3A_1295, %dma_start3A_1304, %dma_start3A_1305] : memref<5x80x128xf32, #tpu.memory_space<vmem>> -> memref<1x80x128xf32, #tpu.memory_space<vmem>>
      %dma_start3A_1307 = tpu.memref_squeeze %dma_start3A_1306 : memref<1x80x128xf32, #tpu.memory_space<vmem>> -> memref<80x128xf32, #tpu.memory_space<vmem>>
      tpu.enqueue_dma source(%dma_start3A_1307 : memref<80x128xf32, #tpu.memory_space<vmem>>) target(%dma_start3A_1303 : memref<80x128xf32, #tpu.memory_space<hbm>>) target_semaphore(%arg20 : memref<!tpu.dma_semaphore, #tpu.memory_space<semaphore_mem>>)
      %add3A_1308 = arith.constant 3 : i32
      %add3A_1309 = arith.addi %add3A_1233, %add3A_1308 : i32
      %add3A_1310 = arith.addi %mul3A_8, %add3A_1309 : i32
      %dma_start3A_1311 = arith.constant 2 : i32
      %dma_start3A_1312 = arith.constant 0 : i32
      %dma_start3A_1313 = tpu.memref_slice %arg5[%dma_start3A_1311, %dma_start3A_1312] : memref<5x80xi32, #tpu.memory_space<vmem>> -> memref<1x80xi32, #tpu.memory_space<vmem>>
      %dma_start3A_1314 = tpu.memref_squeeze %dma_start3A_1313 : memref<1x80xi32, #tpu.memory_space<vmem>> -> memref<80xi32, #tpu.memory_space<vmem>>
      %dma_start3A_1315 = arith.constant 0 : i32
      %dma_start3A_1316 = tpu.memref_slice %arg3[%add3A_1310, %dma_start3A_1315] : memref<10240x80xi32, #tpu.memory_space<hbm>> -> memref<1x80xi32, #tpu.memory_space<hbm>>
      %dma_start3A_1317 = tpu.memref_squeeze %dma_start3A_1316 : memref<1x80xi32, #tpu.memory_space<hbm>> -> memref<80xi32, #tpu.memory_space<hbm>>
      %dma_start3A_1318 = arith.constant 0 : i32
      %dma_start3A_1319 = tpu.memref_slice %arg5[%dma_start3A_1311, %dma_start3A_1318] : memref<5x80xi32, #tpu.memory_space<vmem>> -> memref<1x80xi32, #tpu.memory_space<vmem>>
      %dma_start3A_1320 = tpu.memref_squeeze %dma_start3A_1319 : memref<1x80xi32, #tpu.memory_space<vmem>> -> memref<80xi32, #tpu.memory_space<vmem>>
      %dma_start3A_1321 = arith.constant 0 : i32
      %dma_start3A_1322 = tpu.memref_slice %arg3[%add3A_1310, %dma_start3A_1321] : memref<10240x80xi32, #tpu.memory_space<hbm>> -> memref<1x80xi32, #tpu.memory_space<hbm>>
      %dma_start3A_1323 = tpu.memref_squeeze %dma_start3A_1322 : memref<1x80xi32, #tpu.memory_space<hbm>> -> memref<80xi32, #tpu.memory_space<hbm>>
      tpu.enqueue_dma source(%dma_start3A_1323 : memref<80xi32, #tpu.memory_space<hbm>>) target(%dma_start3A_1320 : memref<80xi32, #tpu.memory_space<vmem>>) target_semaphore(%arg10 : memref<!tpu.dma_semaphore, #tpu.memory_space<semaphore_mem>>)
    }
    %scan3A_349 = arith.constant 62 : i32
    %add3A_350 = arith.constant 24800 : i32
    %add3A_351 = arith.addi %mul3A_10, %add3A_350 : i32
    %dma_wait3A_352 = arith.constant 0 : i32
    %dma_wait3A_353 = arith.constant 0 : i32
    %dma_wait3A_354 = arith.constant 0 : i32
    %dma_wait3A_355 = tpu.memref_slice %arg6[%dma_wait3A_352, %dma_wait3A_353, %dma_wait3A_354] : memref<5x80x128xf32, #tpu.memory_space<vmem>> -> memref<1x80x128xf32, #tpu.memory_space<vmem>>
    %dma_wait3A_356 = tpu.memref_squeeze %dma_wait3A_355 : memref<1x80x128xf32, #tpu.memory_space<vmem>> -> memref<80x128xf32, #tpu.memory_space<vmem>>
    %dma_wait3A_357 = arith.constant 0 : i32
    %dma_wait3A_358 = tpu.memref_slice %arg4[%add3A_351, %dma_wait3A_357] : memref<819200x128xf32, #tpu.memory_space<hbm>> -> memref<80x128xf32, #tpu.memory_space<hbm>>
    %dma_wait3A_359 = arith.constant 0 : i32
    %dma_wait3A_360 = tpu.memref_slice %arg4[%add3A_351, %dma_wait3A_359] : memref<819200x128xf32, #tpu.memory_space<hbm>> -> memref<80x128xf32, #tpu.memory_space<hbm>>
    %dma_wait3A_361 = arith.constant 0 : i32
    %dma_wait3A_362 = arith.constant 0 : i32
    %dma_wait3A_363 = tpu.memref_slice %arg6[%dma_wait3A_352, %dma_wait3A_361, %dma_wait3A_362] : memref<5x80x128xf32, #tpu.memory_space<vmem>> -> memref<1x80x128xf32, #tpu.memory_space<vmem>>
    %dma_wait3A_364 = tpu.memref_squeeze %dma_wait3A_363 : memref<1x80x128xf32, #tpu.memory_space<vmem>> -> memref<80x128xf32, #tpu.memory_space<vmem>>
    tpu.wait_dma2 semaphore(%arg18 : memref<!tpu.dma_semaphore, #tpu.memory_space<semaphore_mem>>) src(%dma_wait3A_364 : memref<80x128xf32, #tpu.memory_space<vmem>>) dst(%dma_wait3A_360 : memref<80x128xf32, #tpu.memory_space<hbm>>)
    %add3A_365 = arith.constant 315 : i32
    %add3A_366 = arith.addi %mul3A_8, %add3A_365 : i32
    %dma_wait3A_367 = arith.constant 0 : i32
    %dma_wait3A_368 = arith.constant 0 : i32
    %dma_wait3A_369 = tpu.memref_slice %arg5[%dma_wait3A_367, %dma_wait3A_368] : memref<5x80xi32, #tpu.memory_space<vmem>> -> memref<1x80xi32, #tpu.memory_space<vmem>>
    %dma_wait3A_370 = tpu.memref_squeeze %dma_wait3A_369 : memref<1x80xi32, #tpu.memory_space<vmem>> -> memref<80xi32, #tpu.memory_space<vmem>>
    %dma_wait3A_371 = arith.constant 0 : i32
    %dma_wait3A_372 = tpu.memref_slice %arg3[%add3A_366, %dma_wait3A_371] : memref<10240x80xi32, #tpu.memory_space<hbm>> -> memref<1x80xi32, #tpu.memory_space<hbm>>
    %dma_wait3A_373 = tpu.memref_squeeze %dma_wait3A_372 : memref<1x80xi32, #tpu.memory_space<hbm>> -> memref<80xi32, #tpu.memory_space<hbm>>
    %dma_wait3A_374 = arith.constant 0 : i32
    %dma_wait3A_375 = tpu.memref_slice %arg5[%dma_wait3A_367, %dma_wait3A_374] : memref<5x80xi32, #tpu.memory_space<vmem>> -> memref<1x80xi32, #tpu.memory_space<vmem>>
    %dma_wait3A_376 = tpu.memref_squeeze %dma_wait3A_375 : memref<1x80xi32, #tpu.memory_space<vmem>> -> memref<80xi32, #tpu.memory_space<vmem>>
    %dma_wait3A_377 = arith.constant 0 : i32
    %dma_wait3A_378 = tpu.memref_slice %arg3[%add3A_366, %dma_wait3A_377] : memref<10240x80xi32, #tpu.memory_space<hbm>> -> memref<1x80xi32, #tpu.memory_space<hbm>>
    %dma_wait3A_379 = tpu.memref_squeeze %dma_wait3A_378 : memref<1x80xi32, #tpu.memory_space<hbm>> -> memref<80xi32, #tpu.memory_space<hbm>>
    tpu.wait_dma2 semaphore(%arg8 : memref<!tpu.dma_semaphore, #tpu.memory_space<semaphore_mem>>) src(%dma_wait3A_379 : memref<80xi32, #tpu.memory_space<hbm>>) dst(%dma_wait3A_376 : memref<80xi32, #tpu.memory_space<vmem>>)
    %dma_start3A_380 = arith.constant 0 : i32
    %dma_start3A_381 = arith.constant 0 : i32
    %dma_start3A_382 = arith.constant 0 : i32
    %dma_start3A_383 = arith.constant 0 : i32
    %dma_start3A_384 = tpu.memref_slice %arg6[%dma_start3A_381, %dma_start3A_382, %dma_start3A_383] : memref<5x80x128xf32, #tpu.memory_space<vmem>> -> memref<1x80x128xf32, #tpu.memory_space<vmem>>
    %dma_start3A_385 = tpu.memref_squeeze %dma_start3A_384 : memref<1x80x128xf32, #tpu.memory_space<vmem>> -> memref<80x128xf32, #tpu.memory_space<vmem>>
    %dma_start3A_386 = arith.constant 0 : i32
    %dma_start3A_387 = tpu.memref_slice %arg5[%dma_start3A_380, %dma_start3A_386] : memref<5x80xi32, #tpu.memory_space<vmem>> -> memref<1x80xi32, #tpu.memory_space<vmem>>
    %dma_start3A_388 = tpu.memref_squeeze %dma_start3A_387 : memref<1x80xi32, #tpu.memory_space<vmem>> -> memref<80xi32, #tpu.memory_space<vmem>>
    %dma_start3A_389 = arith.constant 0 : i32
    %dma_start3A_390 = arith.constant 0 : i32
    %dma_start3A_391 = tpu.memref_slice %arg7[%dma_start3A_389, %dma_start3A_390] : memref<8193x128xf32, #tpu.memory_space<vmem_shared>> -> memref<8193x128xf32, #tpu.memory_space<vmem_shared>>
    tpu.enqueue_indirect_dma source(%dma_start3A_391 : memref<8193x128xf32, #tpu.memory_space<vmem_shared>>) target(%dma_start3A_385 : memref<80x128xf32, #tpu.memory_space<vmem>>) offsets(%dma_start3A_388 : memref<80xi32, #tpu.memory_space<vmem>>) semaphore(%arg13 : memref<!tpu.dma_semaphore, #tpu.memory_space<semaphore_mem>>)
    %dma_wait3A_392 = arith.constant 3 : i32
    %dma_wait3A_393 = arith.constant 3 : i32
    %dma_wait3A_394 = arith.constant 0 : i32
    %dma_wait3A_395 = arith.constant 0 : i32
    %dma_wait3A_396 = tpu.memref_slice %arg6[%dma_wait3A_393, %dma_wait3A_394, %dma_wait3A_395] : memref<5x80x128xf32, #tpu.memory_space<vmem>> -> memref<1x80x128xf32, #tpu.memory_space<vmem>>
    %dma_wait3A_397 = tpu.memref_squeeze %dma_wait3A_396 : memref<1x80x128xf32, #tpu.memory_space<vmem>> -> memref<80x128xf32, #tpu.memory_space<vmem>>
    %dma_wait3A_398 = arith.constant 0 : i32
    %dma_wait3A_399 = tpu.memref_slice %arg5[%dma_wait3A_392, %dma_wait3A_398] : memref<5x80xi32, #tpu.memory_space<vmem>> -> memref<1x80xi32, #tpu.memory_space<vmem>>
    %dma_wait3A_400 = tpu.memref_squeeze %dma_wait3A_399 : memref<1x80xi32, #tpu.memory_space<vmem>> -> memref<80xi32, #tpu.memory_space<vmem>>
    %dma_wait3A_401 = arith.constant 0 : i32
    %dma_wait3A_402 = arith.constant 0 : i32
    %dma_wait3A_403 = tpu.memref_slice %arg7[%dma_wait3A_401, %dma_wait3A_402] : memref<8193x128xf32, #tpu.memory_space<vmem_shared>> -> memref<8193x128xf32, #tpu.memory_space<vmem_shared>>
    tpu.wait_indirect_dma semaphore(%arg16 : memref<!tpu.dma_semaphore, #tpu.memory_space<semaphore_mem>>) src(%dma_wait3A_403 : memref<8193x128xf32, #tpu.memory_space<vmem_shared>>) dst(%dma_wait3A_397 : memref<80x128xf32, #tpu.memory_space<vmem>>)
    %add3A_404 = arith.constant 25040 : i32
    %add3A_405 = arith.addi %mul3A_10, %add3A_404 : i32
    %dma_start3A_406 = arith.constant 3 : i32
    %dma_start3A_407 = arith.constant 0 : i32
    %dma_start3A_408 = arith.constant 0 : i32
    %dma_start3A_409 = tpu.memref_slice %arg6[%dma_start3A_406, %dma_start3A_407, %dma_start3A_408] : memref<5x80x128xf32, #tpu.memory_space<vmem>> -> memref<1x80x128xf32, #tpu.memory_space<vmem>>
    %dma_start3A_410 = tpu.memref_squeeze %dma_start3A_409 : memref<1x80x128xf32, #tpu.memory_space<vmem>> -> memref<80x128xf32, #tpu.memory_space<vmem>>
    %dma_start3A_411 = arith.constant 0 : i32
    %dma_start3A_412 = tpu.memref_slice %arg4[%add3A_405, %dma_start3A_411] : memref<819200x128xf32, #tpu.memory_space<hbm>> -> memref<80x128xf32, #tpu.memory_space<hbm>>
    %dma_start3A_413 = arith.constant 0 : i32
    %dma_start3A_414 = tpu.memref_slice %arg4[%add3A_405, %dma_start3A_413] : memref<819200x128xf32, #tpu.memory_space<hbm>> -> memref<80x128xf32, #tpu.memory_space<hbm>>
    %dma_start3A_415 = arith.constant 0 : i32
    %dma_start3A_416 = arith.constant 0 : i32
    %dma_start3A_417 = tpu.memref_slice %arg6[%dma_start3A_406, %dma_start3A_415, %dma_start3A_416] : memref<5x80x128xf32, #tpu.memory_space<vmem>> -> memref<1x80x128xf32, #tpu.memory_space<vmem>>
    %dma_start3A_418 = tpu.memref_squeeze %dma_start3A_417 : memref<1x80x128xf32, #tpu.memory_space<vmem>> -> memref<80x128xf32, #tpu.memory_space<vmem>>
    tpu.enqueue_dma source(%dma_start3A_418 : memref<80x128xf32, #tpu.memory_space<vmem>>) target(%dma_start3A_414 : memref<80x128xf32, #tpu.memory_space<hbm>>) target_semaphore(%arg21 : memref<!tpu.dma_semaphore, #tpu.memory_space<semaphore_mem>>)
    %add3A_419 = arith.constant 318 : i32
    %add3A_420 = arith.addi %mul3A_8, %add3A_419 : i32
    %dma_start3A_421 = arith.constant 3 : i32
    %dma_start3A_422 = arith.constant 0 : i32
    %dma_start3A_423 = tpu.memref_slice %arg5[%dma_start3A_421, %dma_start3A_422] : memref<5x80xi32, #tpu.memory_space<vmem>> -> memref<1x80xi32, #tpu.memory_space<vmem>>
    %dma_start3A_424 = tpu.memref_squeeze %dma_start3A_423 : memref<1x80xi32, #tpu.memory_space<vmem>> -> memref<80xi32, #tpu.memory_space<vmem>>
    %dma_start3A_425 = arith.constant 0 : i32
    %dma_start3A_426 = tpu.memref_slice %arg3[%add3A_420, %dma_start3A_425] : memref<10240x80xi32, #tpu.memory_space<hbm>> -> memref<1x80xi32, #tpu.memory_space<hbm>>
    %dma_start3A_427 = tpu.memref_squeeze %dma_start3A_426 : memref<1x80xi32, #tpu.memory_space<hbm>> -> memref<80xi32, #tpu.memory_space<hbm>>
    %dma_start3A_428 = arith.constant 0 : i32
    %dma_start3A_429 = tpu.memref_slice %arg5[%dma_start3A_421, %dma_start3A_428] : memref<5x80xi32, #tpu.memory_space<vmem>> -> memref<1x80xi32, #tpu.memory_space<vmem>>
    %dma_start3A_430 = tpu.memref_squeeze %dma_start3A_429 : memref<1x80xi32, #tpu.memory_space<vmem>> -> memref<80xi32, #tpu.memory_space<vmem>>
    %dma_start3A_431 = arith.constant 0 : i32
    %dma_start3A_432 = tpu.memref_slice %arg3[%add3A_420, %dma_start3A_431] : memref<10240x80xi32, #tpu.memory_space<hbm>> -> memref<1x80xi32, #tpu.memory_space<hbm>>
    %dma_start3A_433 = tpu.memref_squeeze %dma_start3A_432 : memref<1x80xi32, #tpu.memory_space<hbm>> -> memref<80xi32, #tpu.memory_space<hbm>>
    tpu.enqueue_dma source(%dma_start3A_433 : memref<80xi32, #tpu.memory_space<hbm>>) target(%dma_start3A_430 : memref<80xi32, #tpu.memory_space<vmem>>) target_semaphore(%arg11 : memref<!tpu.dma_semaphore, #tpu.memory_space<semaphore_mem>>)
    %add3A_434 = arith.constant 24880 : i32
    %add3A_435 = arith.addi %mul3A_10, %add3A_434 : i32
    %dma_wait3A_436 = arith.constant 1 : i32
    %dma_wait3A_437 = arith.constant 0 : i32
    %dma_wait3A_438 = arith.constant 0 : i32
    %dma_wait3A_439 = tpu.memref_slice %arg6[%dma_wait3A_436, %dma_wait3A_437, %dma_wait3A_438] : memref<5x80x128xf32, #tpu.memory_space<vmem>> -> memref<1x80x128xf32, #tpu.memory_space<vmem>>
    %dma_wait3A_440 = tpu.memref_squeeze %dma_wait3A_439 : memref<1x80x128xf32, #tpu.memory_space<vmem>> -> memref<80x128xf32, #tpu.memory_space<vmem>>
    %dma_wait3A_441 = arith.constant 0 : i32
    %dma_wait3A_442 = tpu.memref_slice %arg4[%add3A_435, %dma_wait3A_441] : memref<819200x128xf32, #tpu.memory_space<hbm>> -> memref<80x128xf32, #tpu.memory_space<hbm>>
    %dma_wait3A_443 = arith.constant 0 : i32
    %dma_wait3A_444 = tpu.memref_slice %arg4[%add3A_435, %dma_wait3A_443] : memref<819200x128xf32, #tpu.memory_space<hbm>> -> memref<80x128xf32, #tpu.memory_space<hbm>>
    %dma_wait3A_445 = arith.constant 0 : i32
    %dma_wait3A_446 = arith.constant 0 : i32
    %dma_wait3A_447 = tpu.memref_slice %arg6[%dma_wait3A_436, %dma_wait3A_445, %dma_wait3A_446] : memref<5x80x128xf32, #tpu.memory_space<vmem>> -> memref<1x80x128xf32, #tpu.memory_space<vmem>>
    %dma_wait3A_448 = tpu.memref_squeeze %dma_wait3A_447 : memref<1x80x128xf32, #tpu.memory_space<vmem>> -> memref<80x128xf32, #tpu.memory_space<vmem>>
    tpu.wait_dma2 semaphore(%arg19 : memref<!tpu.dma_semaphore, #tpu.memory_space<semaphore_mem>>) src(%dma_wait3A_448 : memref<80x128xf32, #tpu.memory_space<vmem>>) dst(%dma_wait3A_444 : memref<80x128xf32, #tpu.memory_space<hbm>>)
    %add3A_449 = arith.constant 316 : i32
    %add3A_450 = arith.addi %mul3A_8, %add3A_449 : i32
    %dma_wait3A_451 = arith.constant 1 : i32
    %dma_wait3A_452 = arith.constant 0 : i32
    %dma_wait3A_453 = tpu.memref_slice %arg5[%dma_wait3A_451, %dma_wait3A_452] : memref<5x80xi32, #tpu.memory_space<vmem>> -> memref<1x80xi32, #tpu.memory_space<vmem>>
    %dma_wait3A_454 = tpu.memref_squeeze %dma_wait3A_453 : memref<1x80xi32, #tpu.memory_space<vmem>> -> memref<80xi32, #tpu.memory_space<vmem>>
    %dma_wait3A_455 = arith.constant 0 : i32
    %dma_wait3A_456 = tpu.memref_slice %arg3[%add3A_450, %dma_wait3A_455] : memref<10240x80xi32, #tpu.memory_space<hbm>> -> memref<1x80xi32, #tpu.memory_space<hbm>>
    %dma_wait3A_457 = tpu.memref_squeeze %dma_wait3A_456 : memref<1x80xi32, #tpu.memory_space<hbm>> -> memref<80xi32, #tpu.memory_space<hbm>>
    %dma_wait3A_458 = arith.constant 0 : i32
    %dma_wait3A_459 = tpu.memref_slice %arg5[%dma_wait3A_451, %dma_wait3A_458] : memref<5x80xi32, #tpu.memory_space<vmem>> -> memref<1x80xi32, #tpu.memory_space<vmem>>
    %dma_wait3A_460 = tpu.memref_squeeze %dma_wait3A_459 : memref<1x80xi32, #tpu.memory_space<vmem>> -> memref<80xi32, #tpu.memory_space<vmem>>
    %dma_wait3A_461 = arith.constant 0 : i32
    %dma_wait3A_462 = tpu.memref_slice %arg3[%add3A_450, %dma_wait3A_461] : memref<10240x80xi32, #tpu.memory_space<hbm>> -> memref<1x80xi32, #tpu.memory_space<hbm>>
    %dma_wait3A_463 = tpu.memref_squeeze %dma_wait3A_462 : memref<1x80xi32, #tpu.memory_space<hbm>> -> memref<80xi32, #tpu.memory_space<hbm>>
    tpu.wait_dma2 semaphore(%arg9 : memref<!tpu.dma_semaphore, #tpu.memory_space<semaphore_mem>>) src(%dma_wait3A_463 : memref<80xi32, #tpu.memory_space<hbm>>) dst(%dma_wait3A_460 : memref<80xi32, #tpu.memory_space<vmem>>)
    %dma_start3A_464 = arith.constant 1 : i32
    %dma_start3A_465 = arith.constant 1 : i32
    %dma_start3A_466 = arith.constant 0 : i32
    %dma_start3A_467 = arith.constant 0 : i32
    %dma_start3A_468 = tpu.memref_slice %arg6[%dma_start3A_465, %dma_start3A_466, %dma_start3A_467] : memref<5x80x128xf32, #tpu.memory_space<vmem>> -> memref<1x80x128xf32, #tpu.memory_space<vmem>>
    %dma_start3A_469 = tpu.memref_squeeze %dma_start3A_468 : memref<1x80x128xf32, #tpu.memory_space<vmem>> -> memref<80x128xf32, #tpu.memory_space<vmem>>
    %dma_start3A_470 = arith.constant 0 : i32
    %dma_start3A_471 = tpu.memref_slice %arg5[%dma_start3A_464, %dma_start3A_470] : memref<5x80xi32, #tpu.memory_space<vmem>> -> memref<1x80xi32, #tpu.memory_space<vmem>>
    %dma_start3A_472 = tpu.memref_squeeze %dma_start3A_471 : memref<1x80xi32, #tpu.memory_space<vmem>> -> memref<80xi32, #tpu.memory_space<vmem>>
    %dma_start3A_473 = arith.constant 0 : i32
    %dma_start3A_474 = arith.constant 0 : i32
    %dma_start3A_475 = tpu.memref_slice %arg7[%dma_start3A_473, %dma_start3A_474] : memref<8193x128xf32, #tpu.memory_space<vmem_shared>> -> memref<8193x128xf32, #tpu.memory_space<vmem_shared>>
    tpu.enqueue_indirect_dma source(%dma_start3A_475 : memref<8193x128xf32, #tpu.memory_space<vmem_shared>>) target(%dma_start3A_469 : memref<80x128xf32, #tpu.memory_space<vmem>>) offsets(%dma_start3A_472 : memref<80xi32, #tpu.memory_space<vmem>>) semaphore(%arg14 : memref<!tpu.dma_semaphore, #tpu.memory_space<semaphore_mem>>)
    %dma_wait3A_476 = arith.constant 4 : i32
    %dma_wait3A_477 = arith.constant 4 : i32
    %dma_wait3A_478 = arith.constant 0 : i32
    %dma_wait3A_479 = arith.constant 0 : i32
    %dma_wait3A_480 = tpu.memref_slice %arg6[%dma_wait3A_477, %dma_wait3A_478, %dma_wait3A_479] : memref<5x80x128xf32, #tpu.memory_space<vmem>> -> memref<1x80x128xf32, #tpu.memory_space<vmem>>
    %dma_wait3A_481 = tpu.memref_squeeze %dma_wait3A_480 : memref<1x80x128xf32, #tpu.memory_space<vmem>> -> memref<80x128xf32, #tpu.memory_space<vmem>>
    %dma_wait3A_482 = arith.constant 0 : i32
    %dma_wait3A_483 = tpu.memref_slice %arg5[%dma_wait3A_476, %dma_wait3A_482] : memref<5x80xi32, #tpu.memory_space<vmem>> -> memref<1x80xi32, #tpu.memory_space<vmem>>
    %dma_wait3A_484 = tpu.memref_squeeze %dma_wait3A_483 : memref<1x80xi32, #tpu.memory_space<vmem>> -> memref<80xi32, #tpu.memory_space<vmem>>
    %dma_wait3A_485 = arith.constant 0 : i32
    %dma_wait3A_486 = arith.constant 0 : i32
    %dma_wait3A_487 = tpu.memref_slice %arg7[%dma_wait3A_485, %dma_wait3A_486] : memref<8193x128xf32, #tpu.memory_space<vmem_shared>> -> memref<8193x128xf32, #tpu.memory_space<vmem_shared>>
    tpu.wait_indirect_dma semaphore(%arg17 : memref<!tpu.dma_semaphore, #tpu.memory_space<semaphore_mem>>) src(%dma_wait3A_487 : memref<8193x128xf32, #tpu.memory_space<vmem_shared>>) dst(%dma_wait3A_481 : memref<80x128xf32, #tpu.memory_space<vmem>>)
    %add3A_488 = arith.constant 25120 : i32
    %add3A_489 = arith.addi %mul3A_10, %add3A_488 : i32
    %dma_start3A_490 = arith.constant 4 : i32
    %dma_start3A_491 = arith.constant 0 : i32
    %dma_start3A_492 = arith.constant 0 : i32
    %dma_start3A_493 = tpu.memref_slice %arg6[%dma_start3A_490, %dma_start3A_491, %dma_start3A_492] : memref<5x80x128xf32, #tpu.memory_space<vmem>> -> memref<1x80x128xf32, #tpu.memory_space<vmem>>
    %dma_start3A_494 = tpu.memref_squeeze %dma_start3A_493 : memref<1x80x128xf32, #tpu.memory_space<vmem>> -> memref<80x128xf32, #tpu.memory_space<vmem>>
    %dma_start3A_495 = arith.constant 0 : i32
    %dma_start3A_496 = tpu.memref_slice %arg4[%add3A_489, %dma_start3A_495] : memref<819200x128xf32, #tpu.memory_space<hbm>> -> memref<80x128xf32, #tpu.memory_space<hbm>>
    %dma_start3A_497 = arith.constant 0 : i32
    %dma_start3A_498 = tpu.memref_slice %arg4[%add3A_489, %dma_start3A_497] : memref<819200x128xf32, #tpu.memory_space<hbm>> -> memref<80x128xf32, #tpu.memory_space<hbm>>
    %dma_start3A_499 = arith.constant 0 : i32
    %dma_start3A_500 = arith.constant 0 : i32
    %dma_start3A_501 = tpu.memref_slice %arg6[%dma_start3A_490, %dma_start3A_499, %dma_start3A_500] : memref<5x80x128xf32, #tpu.memory_space<vmem>> -> memref<1x80x128xf32, #tpu.memory_space<vmem>>
    %dma_start3A_502 = tpu.memref_squeeze %dma_start3A_501 : memref<1x80x128xf32, #tpu.memory_space<vmem>> -> memref<80x128xf32, #tpu.memory_space<vmem>>
    tpu.enqueue_dma source(%dma_start3A_502 : memref<80x128xf32, #tpu.memory_space<vmem>>) target(%dma_start3A_498 : memref<80x128xf32, #tpu.memory_space<hbm>>) target_semaphore(%arg22 : memref<!tpu.dma_semaphore, #tpu.memory_space<semaphore_mem>>)
    %add3A_503 = arith.constant 319 : i32
    %add3A_504 = arith.addi %mul3A_8, %add3A_503 : i32
    %dma_start3A_505 = arith.constant 4 : i32
    %dma_start3A_506 = arith.constant 0 : i32
    %dma_start3A_507 = tpu.memref_slice %arg5[%dma_start3A_505, %dma_start3A_506] : memref<5x80xi32, #tpu.memory_space<vmem>> -> memref<1x80xi32, #tpu.memory_space<vmem>>
    %dma_start3A_508 = tpu.memref_squeeze %dma_start3A_507 : memref<1x80xi32, #tpu.memory_space<vmem>> -> memref<80xi32, #tpu.memory_space<vmem>>
    %dma_start3A_509 = arith.constant 0 : i32
    %dma_start3A_510 = tpu.memref_slice %arg3[%add3A_504, %dma_start3A_509] : memref<10240x80xi32, #tpu.memory_space<hbm>> -> memref<1x80xi32, #tpu.memory_space<hbm>>
    %dma_start3A_511 = tpu.memref_squeeze %dma_start3A_510 : memref<1x80xi32, #tpu.memory_space<hbm>> -> memref<80xi32, #tpu.memory_space<hbm>>
    %dma_start3A_512 = arith.constant 0 : i32
    %dma_start3A_513 = tpu.memref_slice %arg5[%dma_start3A_505, %dma_start3A_512] : memref<5x80xi32, #tpu.memory_space<vmem>> -> memref<1x80xi32, #tpu.memory_space<vmem>>
    %dma_start3A_514 = tpu.memref_squeeze %dma_start3A_513 : memref<1x80xi32, #tpu.memory_space<vmem>> -> memref<80xi32, #tpu.memory_space<vmem>>
    %dma_start3A_515 = arith.constant 0 : i32
    %dma_start3A_516 = tpu.memref_slice %arg3[%add3A_504, %dma_start3A_515] : memref<10240x80xi32, #tpu.memory_space<hbm>> -> memref<1x80xi32, #tpu.memory_space<hbm>>
    %dma_start3A_517 = tpu.memref_squeeze %dma_start3A_516 : memref<1x80xi32, #tpu.memory_space<hbm>> -> memref<80xi32, #tpu.memory_space<hbm>>
    tpu.enqueue_dma source(%dma_start3A_517 : memref<80xi32, #tpu.memory_space<hbm>>) target(%dma_start3A_514 : memref<80xi32, #tpu.memory_space<vmem>>) target_semaphore(%arg12 : memref<!tpu.dma_semaphore, #tpu.memory_space<semaphore_mem>>)
    %add3A_518 = arith.constant 24960 : i32
    %add3A_519 = arith.addi %mul3A_10, %add3A_518 : i32
    %dma_wait3A_520 = arith.constant 2 : i32
    %dma_wait3A_521 = arith.constant 0 : i32
    %dma_wait3A_522 = arith.constant 0 : i32
    %dma_wait3A_523 = tpu.memref_slice %arg6[%dma_wait3A_520, %dma_wait3A_521, %dma_wait3A_522] : memref<5x80x128xf32, #tpu.memory_space<vmem>> -> memref<1x80x128xf32, #tpu.memory_space<vmem>>
    %dma_wait3A_524 = tpu.memref_squeeze %dma_wait3A_523 : memref<1x80x128xf32, #tpu.memory_space<vmem>> -> memref<80x128xf32, #tpu.memory_space<vmem>>
    %dma_wait3A_525 = arith.constant 0 : i32
    %dma_wait3A_526 = tpu.memref_slice %arg4[%add3A_519, %dma_wait3A_525] : memref<819200x128xf32, #tpu.memory_space<hbm>> -> memref<80x128xf32, #tpu.memory_space<hbm>>
    %dma_wait3A_527 = arith.constant 0 : i32
    %dma_wait3A_528 = tpu.memref_slice %arg4[%add3A_519, %dma_wait3A_527] : memref<819200x128xf32, #tpu.memory_space<hbm>> -> memref<80x128xf32, #tpu.memory_space<hbm>>
    %dma_wait3A_529 = arith.constant 0 : i32
    %dma_wait3A_530 = arith.constant 0 : i32
    %dma_wait3A_531 = tpu.memref_slice %arg6[%dma_wait3A_520, %dma_wait3A_529, %dma_wait3A_530] : memref<5x80x128xf32, #tpu.memory_space<vmem>> -> memref<1x80x128xf32, #tpu.memory_space<vmem>>
    %dma_wait3A_532 = tpu.memref_squeeze %dma_wait3A_531 : memref<1x80x128xf32, #tpu.memory_space<vmem>> -> memref<80x128xf32, #tpu.memory_space<vmem>>
    tpu.wait_dma2 semaphore(%arg20 : memref<!tpu.dma_semaphore, #tpu.memory_space<semaphore_mem>>) src(%dma_wait3A_532 : memref<80x128xf32, #tpu.memory_space<vmem>>) dst(%dma_wait3A_528 : memref<80x128xf32, #tpu.memory_space<hbm>>)
    %add3A_533 = arith.constant 317 : i32
    %add3A_534 = arith.addi %mul3A_8, %add3A_533 : i32
    %dma_wait3A_535 = arith.constant 2 : i32
    %dma_wait3A_536 = arith.constant 0 : i32
    %dma_wait3A_537 = tpu.memref_slice %arg5[%dma_wait3A_535, %dma_wait3A_536] : memref<5x80xi32, #tpu.memory_space<vmem>> -> memref<1x80xi32, #tpu.memory_space<vmem>>
    %dma_wait3A_538 = tpu.memref_squeeze %dma_wait3A_537 : memref<1x80xi32, #tpu.memory_space<vmem>> -> memref<80xi32, #tpu.memory_space<vmem>>
    %dma_wait3A_539 = arith.constant 0 : i32
    %dma_wait3A_540 = tpu.memref_slice %arg3[%add3A_534, %dma_wait3A_539] : memref<10240x80xi32, #tpu.memory_space<hbm>> -> memref<1x80xi32, #tpu.memory_space<hbm>>
    %dma_wait3A_541 = tpu.memref_squeeze %dma_wait3A_540 : memref<1x80xi32, #tpu.memory_space<hbm>> -> memref<80xi32, #tpu.memory_space<hbm>>
    %dma_wait3A_542 = arith.constant 0 : i32
    %dma_wait3A_543 = tpu.memref_slice %arg5[%dma_wait3A_535, %dma_wait3A_542] : memref<5x80xi32, #tpu.memory_space<vmem>> -> memref<1x80xi32, #tpu.memory_space<vmem>>
    %dma_wait3A_544 = tpu.memref_squeeze %dma_wait3A_543 : memref<1x80xi32, #tpu.memory_space<vmem>> -> memref<80xi32, #tpu.memory_space<vmem>>
    %dma_wait3A_545 = arith.constant 0 : i32
    %dma_wait3A_546 = tpu.memref_slice %arg3[%add3A_534, %dma_wait3A_545] : memref<10240x80xi32, #tpu.memory_space<hbm>> -> memref<1x80xi32, #tpu.memory_space<hbm>>
    %dma_wait3A_547 = tpu.memref_squeeze %dma_wait3A_546 : memref<1x80xi32, #tpu.memory_space<hbm>> -> memref<80xi32, #tpu.memory_space<hbm>>
    tpu.wait_dma2 semaphore(%arg10 : memref<!tpu.dma_semaphore, #tpu.memory_space<semaphore_mem>>) src(%dma_wait3A_547 : memref<80xi32, #tpu.memory_space<hbm>>) dst(%dma_wait3A_544 : memref<80xi32, #tpu.memory_space<vmem>>)
    %dma_start3A_548 = arith.constant 2 : i32
    %dma_start3A_549 = arith.constant 2 : i32
    %dma_start3A_550 = arith.constant 0 : i32
    %dma_start3A_551 = arith.constant 0 : i32
    %dma_start3A_552 = tpu.memref_slice %arg6[%dma_start3A_549, %dma_start3A_550, %dma_start3A_551] : memref<5x80x128xf32, #tpu.memory_space<vmem>> -> memref<1x80x128xf32, #tpu.memory_space<vmem>>
    %dma_start3A_553 = tpu.memref_squeeze %dma_start3A_552 : memref<1x80x128xf32, #tpu.memory_space<vmem>> -> memref<80x128xf32, #tpu.memory_space<vmem>>
    %dma_start3A_554 = arith.constant 0 : i32
    %dma_start3A_555 = tpu.memref_slice %arg5[%dma_start3A_548, %dma_start3A_554] : memref<5x80xi32, #tpu.memory_space<vmem>> -> memref<1x80xi32, #tpu.memory_space<vmem>>
    %dma_start3A_556 = tpu.memref_squeeze %dma_start3A_555 : memref<1x80xi32, #tpu.memory_space<vmem>> -> memref<80xi32, #tpu.memory_space<vmem>>
    %dma_start3A_557 = arith.constant 0 : i32
    %dma_start3A_558 = arith.constant 0 : i32
    %dma_start3A_559 = tpu.memref_slice %arg7[%dma_start3A_557, %dma_start3A_558] : memref<8193x128xf32, #tpu.memory_space<vmem_shared>> -> memref<8193x128xf32, #tpu.memory_space<vmem_shared>>
    tpu.enqueue_indirect_dma source(%dma_start3A_559 : memref<8193x128xf32, #tpu.memory_space<vmem_shared>>) target(%dma_start3A_553 : memref<80x128xf32, #tpu.memory_space<vmem>>) offsets(%dma_start3A_556 : memref<80xi32, #tpu.memory_space<vmem>>) semaphore(%arg15 : memref<!tpu.dma_semaphore, #tpu.memory_space<semaphore_mem>>)
    %dma_wait3A_560 = arith.constant 0 : i32
    %dma_wait3A_561 = arith.constant 0 : i32
    %dma_wait3A_562 = arith.constant 0 : i32
    %dma_wait3A_563 = arith.constant 0 : i32
    %dma_wait3A_564 = tpu.memref_slice %arg6[%dma_wait3A_561, %dma_wait3A_562, %dma_wait3A_563] : memref<5x80x128xf32, #tpu.memory_space<vmem>> -> memref<1x80x128xf32, #tpu.memory_space<vmem>>
    %dma_wait3A_565 = tpu.memref_squeeze %dma_wait3A_564 : memref<1x80x128xf32, #tpu.memory_space<vmem>> -> memref<80x128xf32, #tpu.memory_space<vmem>>
    %dma_wait3A_566 = arith.constant 0 : i32
    %dma_wait3A_567 = tpu.memref_slice %arg5[%dma_wait3A_560, %dma_wait3A_566] : memref<5x80xi32, #tpu.memory_space<vmem>> -> memref<1x80xi32, #tpu.memory_space<vmem>>
    %dma_wait3A_568 = tpu.memref_squeeze %dma_wait3A_567 : memref<1x80xi32, #tpu.memory_space<vmem>> -> memref<80xi32, #tpu.memory_space<vmem>>
    %dma_wait3A_569 = arith.constant 0 : i32
    %dma_wait3A_570 = arith.constant 0 : i32
    %dma_wait3A_571 = tpu.memref_slice %arg7[%dma_wait3A_569, %dma_wait3A_570] : memref<8193x128xf32, #tpu.memory_space<vmem_shared>> -> memref<8193x128xf32, #tpu.memory_space<vmem_shared>>
    tpu.wait_indirect_dma semaphore(%arg13 : memref<!tpu.dma_semaphore, #tpu.memory_space<semaphore_mem>>) src(%dma_wait3A_571 : memref<8193x128xf32, #tpu.memory_space<vmem_shared>>) dst(%dma_wait3A_565 : memref<80x128xf32, #tpu.memory_space<vmem>>)
    %add3A_572 = arith.constant 25200 : i32
    %add3A_573 = arith.addi %mul3A_10, %add3A_572 : i32
    %dma_start3A_574 = arith.constant 0 : i32
    %dma_start3A_575 = arith.constant 0 : i32
    %dma_start3A_576 = arith.constant 0 : i32
    %dma_start3A_577 = tpu.memref_slice %arg6[%dma_start3A_574, %dma_start3A_575, %dma_start3A_576] : memref<5x80x128xf32, #tpu.memory_space<vmem>> -> memref<1x80x128xf32, #tpu.memory_space<vmem>>
    %dma_start3A_578 = tpu.memref_squeeze %dma_start3A_577 : memref<1x80x128xf32, #tpu.memory_space<vmem>> -> memref<80x128xf32, #tpu.memory_space<vmem>>
    %dma_start3A_579 = arith.constant 0 : i32
    %dma_start3A_580 = tpu.memref_slice %arg4[%add3A_573, %dma_start3A_579] : memref<819200x128xf32, #tpu.memory_space<hbm>> -> memref<80x128xf32, #tpu.memory_space<hbm>>
    %dma_start3A_581 = arith.constant 0 : i32
    %dma_start3A_582 = tpu.memref_slice %arg4[%add3A_573, %dma_start3A_581] : memref<819200x128xf32, #tpu.memory_space<hbm>> -> memref<80x128xf32, #tpu.memory_space<hbm>>
    %dma_start3A_583 = arith.constant 0 : i32
    %dma_start3A_584 = arith.constant 0 : i32
    %dma_start3A_585 = tpu.memref_slice %arg6[%dma_start3A_574, %dma_start3A_583, %dma_start3A_584] : memref<5x80x128xf32, #tpu.memory_space<vmem>> -> memref<1x80x128xf32, #tpu.memory_space<vmem>>
    %dma_start3A_586 = tpu.memref_squeeze %dma_start3A_585 : memref<1x80x128xf32, #tpu.memory_space<vmem>> -> memref<80x128xf32, #tpu.memory_space<vmem>>
    tpu.enqueue_dma source(%dma_start3A_586 : memref<80x128xf32, #tpu.memory_space<vmem>>) target(%dma_start3A_582 : memref<80x128xf32, #tpu.memory_space<hbm>>) target_semaphore(%arg18 : memref<!tpu.dma_semaphore, #tpu.memory_space<semaphore_mem>>)
    %add3A_587 = arith.constant 25040 : i32
    %add3A_588 = arith.addi %mul3A_10, %add3A_587 : i32
    %dma_wait3A_589 = arith.constant 3 : i32
    %dma_wait3A_590 = arith.constant 0 : i32
    %dma_wait3A_591 = arith.constant 0 : i32
    %dma_wait3A_592 = tpu.memref_slice %arg6[%dma_wait3A_589, %dma_wait3A_590, %dma_wait3A_591] : memref<5x80x128xf32, #tpu.memory_space<vmem>> -> memref<1x80x128xf32, #tpu.memory_space<vmem>>
    %dma_wait3A_593 = tpu.memref_squeeze %dma_wait3A_592 : memref<1x80x128xf32, #tpu.memory_space<vmem>> -> memref<80x128xf32, #tpu.memory_space<vmem>>
    %dma_wait3A_594 = arith.constant 0 : i32
    %dma_wait3A_595 = tpu.memref_slice %arg4[%add3A_588, %dma_wait3A_594] : memref<819200x128xf32, #tpu.memory_space<hbm>> -> memref<80x128xf32, #tpu.memory_space<hbm>>
    %dma_wait3A_596 = arith.constant 0 : i32
    %dma_wait3A_597 = tpu.memref_slice %arg4[%add3A_588, %dma_wait3A_596] : memref<819200x128xf32, #tpu.memory_space<hbm>> -> memref<80x128xf32, #tpu.memory_space<hbm>>
    %dma_wait3A_598 = arith.constant 0 : i32
    %dma_wait3A_599 = arith.constant 0 : i32
    %dma_wait3A_600 = tpu.memref_slice %arg6[%dma_wait3A_589, %dma_wait3A_598, %dma_wait3A_599] : memref<5x80x128xf32, #tpu.memory_space<vmem>> -> memref<1x80x128xf32, #tpu.memory_space<vmem>>
    %dma_wait3A_601 = tpu.memref_squeeze %dma_wait3A_600 : memref<1x80x128xf32, #tpu.memory_space<vmem>> -> memref<80x128xf32, #tpu.memory_space<vmem>>
    tpu.wait_dma2 semaphore(%arg21 : memref<!tpu.dma_semaphore, #tpu.memory_space<semaphore_mem>>) src(%dma_wait3A_601 : memref<80x128xf32, #tpu.memory_space<vmem>>) dst(%dma_wait3A_597 : memref<80x128xf32, #tpu.memory_space<hbm>>)
    %add3A_602 = arith.constant 318 : i32
    %add3A_603 = arith.addi %mul3A_8, %add3A_602 : i32
    %dma_wait3A_604 = arith.constant 3 : i32
    %dma_wait3A_605 = arith.constant 0 : i32
    %dma_wait3A_606 = tpu.memref_slice %arg5[%dma_wait3A_604, %dma_wait3A_605] : memref<5x80xi32, #tpu.memory_space<vmem>> -> memref<1x80xi32, #tpu.memory_space<vmem>>
    %dma_wait3A_607 = tpu.memref_squeeze %dma_wait3A_606 : memref<1x80xi32, #tpu.memory_space<vmem>> -> memref<80xi32, #tpu.memory_space<vmem>>
    %dma_wait3A_608 = arith.constant 0 : i32
    %dma_wait3A_609 = tpu.memref_slice %arg3[%add3A_603, %dma_wait3A_608] : memref<10240x80xi32, #tpu.memory_space<hbm>> -> memref<1x80xi32, #tpu.memory_space<hbm>>
    %dma_wait3A_610 = tpu.memref_squeeze %dma_wait3A_609 : memref<1x80xi32, #tpu.memory_space<hbm>> -> memref<80xi32, #tpu.memory_space<hbm>>
    %dma_wait3A_611 = arith.constant 0 : i32
    %dma_wait3A_612 = tpu.memref_slice %arg5[%dma_wait3A_604, %dma_wait3A_611] : memref<5x80xi32, #tpu.memory_space<vmem>> -> memref<1x80xi32, #tpu.memory_space<vmem>>
    %dma_wait3A_613 = tpu.memref_squeeze %dma_wait3A_612 : memref<1x80xi32, #tpu.memory_space<vmem>> -> memref<80xi32, #tpu.memory_space<vmem>>
    %dma_wait3A_614 = arith.constant 0 : i32
    %dma_wait3A_615 = tpu.memref_slice %arg3[%add3A_603, %dma_wait3A_614] : memref<10240x80xi32, #tpu.memory_space<hbm>> -> memref<1x80xi32, #tpu.memory_space<hbm>>
    %dma_wait3A_616 = tpu.memref_squeeze %dma_wait3A_615 : memref<1x80xi32, #tpu.memory_space<hbm>> -> memref<80xi32, #tpu.memory_space<hbm>>
    tpu.wait_dma2 semaphore(%arg11 : memref<!tpu.dma_semaphore, #tpu.memory_space<semaphore_mem>>) src(%dma_wait3A_616 : memref<80xi32, #tpu.memory_space<hbm>>) dst(%dma_wait3A_613 : memref<80xi32, #tpu.memory_space<vmem>>)
    %dma_start3A_617 = arith.constant 3 : i32
    %dma_start3A_618 = arith.constant 3 : i32
    %dma_start3A_619 = arith.constant 0 : i32
    %dma_start3A_620 = arith.constant 0 : i32
    %dma_start3A_621 = tpu.memref_slice %arg6[%dma_start3A_618, %dma_start3A_619, %dma_start3A_620] : memref<5x80x128xf32, #tpu.memory_space<vmem>> -> memref<1x80x128xf32, #tpu.memory_space<vmem>>
    %dma_start3A_622 = tpu.memref_squeeze %dma_start3A_621 : memref<1x80x128xf32, #tpu.memory_space<vmem>> -> memref<80x128xf32, #tpu.memory_space<vmem>>
    %dma_start3A_623 = arith.constant 0 : i32
    %dma_start3A_624 = tpu.memref_slice %arg5[%dma_start3A_617, %dma_start3A_623] : memref<5x80xi32, #tpu.memory_space<vmem>> -> memref<1x80xi32, #tpu.memory_space<vmem>>
    %dma_start3A_625 = tpu.memref_squeeze %dma_start3A_624 : memref<1x80xi32, #tpu.memory_space<vmem>> -> memref<80xi32, #tpu.memory_space<vmem>>
    %dma_start3A_626 = arith.constant 0 : i32
    %dma_start3A_627 = arith.constant 0 : i32
    %dma_start3A_628 = tpu.memref_slice %arg7[%dma_start3A_626, %dma_start3A_627] : memref<8193x128xf32, #tpu.memory_space<vmem_shared>> -> memref<8193x128xf32, #tpu.memory_space<vmem_shared>>
    tpu.enqueue_indirect_dma source(%dma_start3A_628 : memref<8193x128xf32, #tpu.memory_space<vmem_shared>>) target(%dma_start3A_622 : memref<80x128xf32, #tpu.memory_space<vmem>>) offsets(%dma_start3A_625 : memref<80xi32, #tpu.memory_space<vmem>>) semaphore(%arg16 : memref<!tpu.dma_semaphore, #tpu.memory_space<semaphore_mem>>)
    %dma_wait3A_629 = arith.constant 1 : i32
    %dma_wait3A_630 = arith.constant 1 : i32
    %dma_wait3A_631 = arith.constant 0 : i32
    %dma_wait3A_632 = arith.constant 0 : i32
    %dma_wait3A_633 = tpu.memref_slice %arg6[%dma_wait3A_630, %dma_wait3A_631, %dma_wait3A_632] : memref<5x80x128xf32, #tpu.memory_space<vmem>> -> memref<1x80x128xf32, #tpu.memory_space<vmem>>
    %dma_wait3A_634 = tpu.memref_squeeze %dma_wait3A_633 : memref<1x80x128xf32, #tpu.memory_space<vmem>> -> memref<80x128xf32, #tpu.memory_space<vmem>>
    %dma_wait3A_635 = arith.constant 0 : i32
    %dma_wait3A_636 = tpu.memref_slice %arg5[%dma_wait3A_629, %dma_wait3A_635] : memref<5x80xi32, #tpu.memory_space<vmem>> -> memref<1x80xi32, #tpu.memory_space<vmem>>
    %dma_wait3A_637 = tpu.memref_squeeze %dma_wait3A_636 : memref<1x80xi32, #tpu.memory_space<vmem>> -> memref<80xi32, #tpu.memory_space<vmem>>
    %dma_wait3A_638 = arith.constant 0 : i32
    %dma_wait3A_639 = arith.constant 0 : i32
    %dma_wait3A_640 = tpu.memref_slice %arg7[%dma_wait3A_638, %dma_wait3A_639] : memref<8193x128xf32, #tpu.memory_space<vmem_shared>> -> memref<8193x128xf32, #tpu.memory_space<vmem_shared>>
    tpu.wait_indirect_dma semaphore(%arg14 : memref<!tpu.dma_semaphore, #tpu.memory_space<semaphore_mem>>) src(%dma_wait3A_640 : memref<8193x128xf32, #tpu.memory_space<vmem_shared>>) dst(%dma_wait3A_634 : memref<80x128xf32, #tpu.memory_space<vmem>>)
    %add3A_641 = arith.constant 25280 : i32
    %add3A_642 = arith.addi %mul3A_10, %add3A_641 : i32
    %dma_start3A_643 = arith.constant 1 : i32
    %dma_start3A_644 = arith.constant 0 : i32
    %dma_start3A_645 = arith.constant 0 : i32
    %dma_start3A_646 = tpu.memref_slice %arg6[%dma_start3A_643, %dma_start3A_644, %dma_start3A_645] : memref<5x80x128xf32, #tpu.memory_space<vmem>> -> memref<1x80x128xf32, #tpu.memory_space<vmem>>
    %dma_start3A_647 = tpu.memref_squeeze %dma_start3A_646 : memref<1x80x128xf32, #tpu.memory_space<vmem>> -> memref<80x128xf32, #tpu.memory_space<vmem>>
    %dma_start3A_648 = arith.constant 0 : i32
    %dma_start3A_649 = tpu.memref_slice %arg4[%add3A_642, %dma_start3A_648] : memref<819200x128xf32, #tpu.memory_space<hbm>> -> memref<80x128xf32, #tpu.memory_space<hbm>>
    %dma_start3A_650 = arith.constant 0 : i32
    %dma_start3A_651 = tpu.memref_slice %arg4[%add3A_642, %dma_start3A_650] : memref<819200x128xf32, #tpu.memory_space<hbm>> -> memref<80x128xf32, #tpu.memory_space<hbm>>
    %dma_start3A_652 = arith.constant 0 : i32
    %dma_start3A_653 = arith.constant 0 : i32
    %dma_start3A_654 = tpu.memref_slice %arg6[%dma_start3A_643, %dma_start3A_652, %dma_start3A_653] : memref<5x80x128xf32, #tpu.memory_space<vmem>> -> memref<1x80x128xf32, #tpu.memory_space<vmem>>
    %dma_start3A_655 = tpu.memref_squeeze %dma_start3A_654 : memref<1x80x128xf32, #tpu.memory_space<vmem>> -> memref<80x128xf32, #tpu.memory_space<vmem>>
    tpu.enqueue_dma source(%dma_start3A_655 : memref<80x128xf32, #tpu.memory_space<vmem>>) target(%dma_start3A_651 : memref<80x128xf32, #tpu.memory_space<hbm>>) target_semaphore(%arg19 : memref<!tpu.dma_semaphore, #tpu.memory_space<semaphore_mem>>)
    %add3A_656 = arith.constant 25120 : i32
    %add3A_657 = arith.addi %mul3A_10, %add3A_656 : i32
    %dma_wait3A_658 = arith.constant 4 : i32
    %dma_wait3A_659 = arith.constant 0 : i32
    %dma_wait3A_660 = arith.constant 0 : i32
    %dma_wait3A_661 = tpu.memref_slice %arg6[%dma_wait3A_658, %dma_wait3A_659, %dma_wait3A_660] : memref<5x80x128xf32, #tpu.memory_space<vmem>> -> memref<1x80x128xf32, #tpu.memory_space<vmem>>
    %dma_wait3A_662 = tpu.memref_squeeze %dma_wait3A_661 : memref<1x80x128xf32, #tpu.memory_space<vmem>> -> memref<80x128xf32, #tpu.memory_space<vmem>>
    %dma_wait3A_663 = arith.constant 0 : i32
    %dma_wait3A_664 = tpu.memref_slice %arg4[%add3A_657, %dma_wait3A_663] : memref<819200x128xf32, #tpu.memory_space<hbm>> -> memref<80x128xf32, #tpu.memory_space<hbm>>
    %dma_wait3A_665 = arith.constant 0 : i32
    %dma_wait3A_666 = tpu.memref_slice %arg4[%add3A_657, %dma_wait3A_665] : memref<819200x128xf32, #tpu.memory_space<hbm>> -> memref<80x128xf32, #tpu.memory_space<hbm>>
    %dma_wait3A_667 = arith.constant 0 : i32
    %dma_wait3A_668 = arith.constant 0 : i32
    %dma_wait3A_669 = tpu.memref_slice %arg6[%dma_wait3A_658, %dma_wait3A_667, %dma_wait3A_668] : memref<5x80x128xf32, #tpu.memory_space<vmem>> -> memref<1x80x128xf32, #tpu.memory_space<vmem>>
    %dma_wait3A_670 = tpu.memref_squeeze %dma_wait3A_669 : memref<1x80x128xf32, #tpu.memory_space<vmem>> -> memref<80x128xf32, #tpu.memory_space<vmem>>
    tpu.wait_dma2 semaphore(%arg22 : memref<!tpu.dma_semaphore, #tpu.memory_space<semaphore_mem>>) src(%dma_wait3A_670 : memref<80x128xf32, #tpu.memory_space<vmem>>) dst(%dma_wait3A_666 : memref<80x128xf32, #tpu.memory_space<hbm>>)
    %add3A_671 = arith.constant 319 : i32
    %add3A_672 = arith.addi %mul3A_8, %add3A_671 : i32
    %dma_wait3A_673 = arith.constant 4 : i32
    %dma_wait3A_674 = arith.constant 0 : i32
    %dma_wait3A_675 = tpu.memref_slice %arg5[%dma_wait3A_673, %dma_wait3A_674] : memref<5x80xi32, #tpu.memory_space<vmem>> -> memref<1x80xi32, #tpu.memory_space<vmem>>
    %dma_wait3A_676 = tpu.memref_squeeze %dma_wait3A_675 : memref<1x80xi32, #tpu.memory_space<vmem>> -> memref<80xi32, #tpu.memory_space<vmem>>
    %dma_wait3A_677 = arith.constant 0 : i32
    %dma_wait3A_678 = tpu.memref_slice %arg3[%add3A_672, %dma_wait3A_677] : memref<10240x80xi32, #tpu.memory_space<hbm>> -> memref<1x80xi32, #tpu.memory_space<hbm>>
    %dma_wait3A_679 = tpu.memref_squeeze %dma_wait3A_678 : memref<1x80xi32, #tpu.memory_space<hbm>> -> memref<80xi32, #tpu.memory_space<hbm>>
    %dma_wait3A_680 = arith.constant 0 : i32
    %dma_wait3A_681 = tpu.memref_slice %arg5[%dma_wait3A_673, %dma_wait3A_680] : memref<5x80xi32, #tpu.memory_space<vmem>> -> memref<1x80xi32, #tpu.memory_space<vmem>>
    %dma_wait3A_682 = tpu.memref_squeeze %dma_wait3A_681 : memref<1x80xi32, #tpu.memory_space<vmem>> -> memref<80xi32, #tpu.memory_space<vmem>>
    %dma_wait3A_683 = arith.constant 0 : i32
    %dma_wait3A_684 = tpu.memref_slice %arg3[%add3A_672, %dma_wait3A_683] : memref<10240x80xi32, #tpu.memory_space<hbm>> -> memref<1x80xi32, #tpu.memory_space<hbm>>
    %dma_wait3A_685 = tpu.memref_squeeze %dma_wait3A_684 : memref<1x80xi32, #tpu.memory_space<hbm>> -> memref<80xi32, #tpu.memory_space<hbm>>
    tpu.wait_dma2 semaphore(%arg12 : memref<!tpu.dma_semaphore, #tpu.memory_space<semaphore_mem>>) src(%dma_wait3A_685 : memref<80xi32, #tpu.memory_space<hbm>>) dst(%dma_wait3A_682 : memref<80xi32, #tpu.memory_space<vmem>>)
    %dma_start3A_686 = arith.constant 4 : i32
    %dma_start3A_687 = arith.constant 4 : i32
    %dma_start3A_688 = arith.constant 0 : i32
    %dma_start3A_689 = arith.constant 0 : i32
    %dma_start3A_690 = tpu.memref_slice %arg6[%dma_start3A_687, %dma_start3A_688, %dma_start3A_689] : memref<5x80x128xf32, #tpu.memory_space<vmem>> -> memref<1x80x128xf32, #tpu.memory_space<vmem>>
    %dma_start3A_691 = tpu.memref_squeeze %dma_start3A_690 : memref<1x80x128xf32, #tpu.memory_space<vmem>> -> memref<80x128xf32, #tpu.memory_space<vmem>>
    %dma_start3A_692 = arith.constant 0 : i32
    %dma_start3A_693 = tpu.memref_slice %arg5[%dma_start3A_686, %dma_start3A_692] : memref<5x80xi32, #tpu.memory_space<vmem>> -> memref<1x80xi32, #tpu.memory_space<vmem>>
    %dma_start3A_694 = tpu.memref_squeeze %dma_start3A_693 : memref<1x80xi32, #tpu.memory_space<vmem>> -> memref<80xi32, #tpu.memory_space<vmem>>
    %dma_start3A_695 = arith.constant 0 : i32
    %dma_start3A_696 = arith.constant 0 : i32
    %dma_start3A_697 = tpu.memref_slice %arg7[%dma_start3A_695, %dma_start3A_696] : memref<8193x128xf32, #tpu.memory_space<vmem_shared>> -> memref<8193x128xf32, #tpu.memory_space<vmem_shared>>
    tpu.enqueue_indirect_dma source(%dma_start3A_697 : memref<8193x128xf32, #tpu.memory_space<vmem_shared>>) target(%dma_start3A_691 : memref<80x128xf32, #tpu.memory_space<vmem>>) offsets(%dma_start3A_694 : memref<80xi32, #tpu.memory_space<vmem>>) semaphore(%arg17 : memref<!tpu.dma_semaphore, #tpu.memory_space<semaphore_mem>>)
    %dma_wait3A_698 = arith.constant 2 : i32
    %dma_wait3A_699 = arith.constant 2 : i32
    %dma_wait3A_700 = arith.constant 0 : i32
    %dma_wait3A_701 = arith.constant 0 : i32
    %dma_wait3A_702 = tpu.memref_slice %arg6[%dma_wait3A_699, %dma_wait3A_700, %dma_wait3A_701] : memref<5x80x128xf32, #tpu.memory_space<vmem>> -> memref<1x80x128xf32, #tpu.memory_space<vmem>>
    %dma_wait3A_703 = tpu.memref_squeeze %dma_wait3A_702 : memref<1x80x128xf32, #tpu.memory_space<vmem>> -> memref<80x128xf32, #tpu.memory_space<vmem>>
    %dma_wait3A_704 = arith.constant 0 : i32
    %dma_wait3A_705 = tpu.memref_slice %arg5[%dma_wait3A_698, %dma_wait3A_704] : memref<5x80xi32, #tpu.memory_space<vmem>> -> memref<1x80xi32, #tpu.memory_space<vmem>>
    %dma_wait3A_706 = tpu.memref_squeeze %dma_wait3A_705 : memref<1x80xi32, #tpu.memory_space<vmem>> -> memref<80xi32, #tpu.memory_space<vmem>>
    %dma_wait3A_707 = arith.constant 0 : i32
    %dma_wait3A_708 = arith.constant 0 : i32
    %dma_wait3A_709 = tpu.memref_slice %arg7[%dma_wait3A_707, %dma_wait3A_708] : memref<8193x128xf32, #tpu.memory_space<vmem_shared>> -> memref<8193x128xf32, #tpu.memory_space<vmem_shared>>
    tpu.wait_indirect_dma semaphore(%arg15 : memref<!tpu.dma_semaphore, #tpu.memory_space<semaphore_mem>>) src(%dma_wait3A_709 : memref<8193x128xf32, #tpu.memory_space<vmem_shared>>) dst(%dma_wait3A_703 : memref<80x128xf32, #tpu.memory_space<vmem>>)
    %add3A_710 = arith.constant 25360 : i32
    %add3A_711 = arith.addi %mul3A_10, %add3A_710 : i32
    %dma_start3A_712 = arith.constant 2 : i32
    %dma_start3A_713 = arith.constant 0 : i32
    %dma_start3A_714 = arith.constant 0 : i32
    %dma_start3A_715 = tpu.memref_slice %arg6[%dma_start3A_712, %dma_start3A_713, %dma_start3A_714] : memref<5x80x128xf32, #tpu.memory_space<vmem>> -> memref<1x80x128xf32, #tpu.memory_space<vmem>>
    %dma_start3A_716 = tpu.memref_squeeze %dma_start3A_715 : memref<1x80x128xf32, #tpu.memory_space<vmem>> -> memref<80x128xf32, #tpu.memory_space<vmem>>
    %dma_start3A_717 = arith.constant 0 : i32
    %dma_start3A_718 = tpu.memref_slice %arg4[%add3A_711, %dma_start3A_717] : memref<819200x128xf32, #tpu.memory_space<hbm>> -> memref<80x128xf32, #tpu.memory_space<hbm>>
    %dma_start3A_719 = arith.constant 0 : i32
    %dma_start3A_720 = tpu.memref_slice %arg4[%add3A_711, %dma_start3A_719] : memref<819200x128xf32, #tpu.memory_space<hbm>> -> memref<80x128xf32, #tpu.memory_space<hbm>>
    %dma_start3A_721 = arith.constant 0 : i32
    %dma_start3A_722 = arith.constant 0 : i32
    %dma_start3A_723 = tpu.memref_slice %arg6[%dma_start3A_712, %dma_start3A_721, %dma_start3A_722] : memref<5x80x128xf32, #tpu.memory_space<vmem>> -> memref<1x80x128xf32, #tpu.memory_space<vmem>>
    %dma_start3A_724 = tpu.memref_squeeze %dma_start3A_723 : memref<1x80x128xf32, #tpu.memory_space<vmem>> -> memref<80x128xf32, #tpu.memory_space<vmem>>
    tpu.enqueue_dma source(%dma_start3A_724 : memref<80x128xf32, #tpu.memory_space<vmem>>) target(%dma_start3A_720 : memref<80x128xf32, #tpu.memory_space<hbm>>) target_semaphore(%arg20 : memref<!tpu.dma_semaphore, #tpu.memory_space<semaphore_mem>>)
    %dma_wait3A_725 = arith.constant 3 : i32
    %dma_wait3A_726 = arith.constant 3 : i32
    %dma_wait3A_727 = arith.constant 0 : i32
    %dma_wait3A_728 = arith.constant 0 : i32
    %dma_wait3A_729 = tpu.memref_slice %arg6[%dma_wait3A_726, %dma_wait3A_727, %dma_wait3A_728] : memref<5x80x128xf32, #tpu.memory_space<vmem>> -> memref<1x80x128xf32, #tpu.memory_space<vmem>>
    %dma_wait3A_730 = tpu.memref_squeeze %dma_wait3A_729 : memref<1x80x128xf32, #tpu.memory_space<vmem>> -> memref<80x128xf32, #tpu.memory_space<vmem>>
    %dma_wait3A_731 = arith.constant 0 : i32
    %dma_wait3A_732 = tpu.memref_slice %arg5[%dma_wait3A_725, %dma_wait3A_731] : memref<5x80xi32, #tpu.memory_space<vmem>> -> memref<1x80xi32, #tpu.memory_space<vmem>>
    %dma_wait3A_733 = tpu.memref_squeeze %dma_wait3A_732 : memref<1x80xi32, #tpu.memory_space<vmem>> -> memref<80xi32, #tpu.memory_space<vmem>>
    %dma_wait3A_734 = arith.constant 0 : i32
    %dma_wait3A_735 = arith.constant 0 : i32
    %dma_wait3A_736 = tpu.memref_slice %arg7[%dma_wait3A_734, %dma_wait3A_735] : memref<8193x128xf32, #tpu.memory_space<vmem_shared>> -> memref<8193x128xf32, #tpu.memory_space<vmem_shared>>
    tpu.wait_indirect_dma semaphore(%arg16 : memref<!tpu.dma_semaphore, #tpu.memory_space<semaphore_mem>>) src(%dma_wait3A_736 : memref<8193x128xf32, #tpu.memory_space<vmem_shared>>) dst(%dma_wait3A_730 : memref<80x128xf32, #tpu.memory_space<vmem>>)
    %add3A_737 = arith.constant 25440 : i32
    %add3A_738 = arith.addi %mul3A_10, %add3A_737 : i32
    %dma_start3A_739 = arith.constant 3 : i32
    %dma_start3A_740 = arith.constant 0 : i32
    %dma_start3A_741 = arith.constant 0 : i32
    %dma_start3A_742 = tpu.memref_slice %arg6[%dma_start3A_739, %dma_start3A_740, %dma_start3A_741] : memref<5x80x128xf32, #tpu.memory_space<vmem>> -> memref<1x80x128xf32, #tpu.memory_space<vmem>>
    %dma_start3A_743 = tpu.memref_squeeze %dma_start3A_742 : memref<1x80x128xf32, #tpu.memory_space<vmem>> -> memref<80x128xf32, #tpu.memory_space<vmem>>
    %dma_start3A_744 = arith.constant 0 : i32
    %dma_start3A_745 = tpu.memref_slice %arg4[%add3A_738, %dma_start3A_744] : memref<819200x128xf32, #tpu.memory_space<hbm>> -> memref<80x128xf32, #tpu.memory_space<hbm>>
    %dma_start3A_746 = arith.constant 0 : i32
    %dma_start3A_747 = tpu.memref_slice %arg4[%add3A_738, %dma_start3A_746] : memref<819200x128xf32, #tpu.memory_space<hbm>> -> memref<80x128xf32, #tpu.memory_space<hbm>>
    %dma_start3A_748 = arith.constant 0 : i32
    %dma_start3A_749 = arith.constant 0 : i32
    %dma_start3A_750 = tpu.memref_slice %arg6[%dma_start3A_739, %dma_start3A_748, %dma_start3A_749] : memref<5x80x128xf32, #tpu.memory_space<vmem>> -> memref<1x80x128xf32, #tpu.memory_space<vmem>>
    %dma_start3A_751 = tpu.memref_squeeze %dma_start3A_750 : memref<1x80x128xf32, #tpu.memory_space<vmem>> -> memref<80x128xf32, #tpu.memory_space<vmem>>
    tpu.enqueue_dma source(%dma_start3A_751 : memref<80x128xf32, #tpu.memory_space<vmem>>) target(%dma_start3A_747 : memref<80x128xf32, #tpu.memory_space<hbm>>) target_semaphore(%arg21 : memref<!tpu.dma_semaphore, #tpu.memory_space<semaphore_mem>>)
    %dma_wait3A_752 = arith.constant 4 : i32
    %dma_wait3A_753 = arith.constant 4 : i32
    %dma_wait3A_754 = arith.constant 0 : i32
    %dma_wait3A_755 = arith.constant 0 : i32
    %dma_wait3A_756 = tpu.memref_slice %arg6[%dma_wait3A_753, %dma_wait3A_754, %dma_wait3A_755] : memref<5x80x128xf32, #tpu.memory_space<vmem>> -> memref<1x80x128xf32, #tpu.memory_space<vmem>>
    %dma_wait3A_757 = tpu.memref_squeeze %dma_wait3A_756 : memref<1x80x128xf32, #tpu.memory_space<vmem>> -> memref<80x128xf32, #tpu.memory_space<vmem>>
    %dma_wait3A_758 = arith.constant 0 : i32
    %dma_wait3A_759 = tpu.memref_slice %arg5[%dma_wait3A_752, %dma_wait3A_758] : memref<5x80xi32, #tpu.memory_space<vmem>> -> memref<1x80xi32, #tpu.memory_space<vmem>>
    %dma_wait3A_760 = tpu.memref_squeeze %dma_wait3A_759 : memref<1x80xi32, #tpu.memory_space<vmem>> -> memref<80xi32, #tpu.memory_space<vmem>>
    %dma_wait3A_761 = arith.constant 0 : i32
    %dma_wait3A_762 = arith.constant 0 : i32
    %dma_wait3A_763 = tpu.memref_slice %arg7[%dma_wait3A_761, %dma_wait3A_762] : memref<8193x128xf32, #tpu.memory_space<vmem_shared>> -> memref<8193x128xf32, #tpu.memory_space<vmem_shared>>
    tpu.wait_indirect_dma semaphore(%arg17 : memref<!tpu.dma_semaphore, #tpu.memory_space<semaphore_mem>>) src(%dma_wait3A_763 : memref<8193x128xf32, #tpu.memory_space<vmem_shared>>) dst(%dma_wait3A_757 : memref<80x128xf32, #tpu.memory_space<vmem>>)
    %add3A_764 = arith.constant 25520 : i32
    %add3A_765 = arith.addi %mul3A_10, %add3A_764 : i32
    %dma_start3A_766 = arith.constant 4 : i32
    %dma_start3A_767 = arith.constant 0 : i32
    %dma_start3A_768 = arith.constant 0 : i32
    %dma_start3A_769 = tpu.memref_slice %arg6[%dma_start3A_766, %dma_start3A_767, %dma_start3A_768] : memref<5x80x128xf32, #tpu.memory_space<vmem>> -> memref<1x80x128xf32, #tpu.memory_space<vmem>>
    %dma_start3A_770 = tpu.memref_squeeze %dma_start3A_769 : memref<1x80x128xf32, #tpu.memory_space<vmem>> -> memref<80x128xf32, #tpu.memory_space<vmem>>
    %dma_start3A_771 = arith.constant 0 : i32
    %dma_start3A_772 = tpu.memref_slice %arg4[%add3A_765, %dma_start3A_771] : memref<819200x128xf32, #tpu.memory_space<hbm>> -> memref<80x128xf32, #tpu.memory_space<hbm>>
    %dma_start3A_773 = arith.constant 0 : i32
    %dma_start3A_774 = tpu.memref_slice %arg4[%add3A_765, %dma_start3A_773] : memref<819200x128xf32, #tpu.memory_space<hbm>> -> memref<80x128xf32, #tpu.memory_space<hbm>>
    %dma_start3A_775 = arith.constant 0 : i32
    %dma_start3A_776 = arith.constant 0 : i32
    %dma_start3A_777 = tpu.memref_slice %arg6[%dma_start3A_766, %dma_start3A_775, %dma_start3A_776] : memref<5x80x128xf32, #tpu.memory_space<vmem>> -> memref<1x80x128xf32, #tpu.memory_space<vmem>>
    %dma_start3A_778 = tpu.memref_squeeze %dma_start3A_777 : memref<1x80x128xf32, #tpu.memory_space<vmem>> -> memref<80x128xf32, #tpu.memory_space<vmem>>
    tpu.enqueue_dma source(%dma_start3A_778 : memref<80x128xf32, #tpu.memory_space<vmem>>) target(%dma_start3A_774 : memref<80x128xf32, #tpu.memory_space<hbm>>) target_semaphore(%arg22 : memref<!tpu.dma_semaphore, #tpu.memory_space<semaphore_mem>>)
    %add3A_779 = arith.constant 25200 : i32
    %add3A_780 = arith.addi %mul3A_10, %add3A_779 : i32
    %dma_wait3A_781 = arith.constant 0 : i32
    %dma_wait3A_782 = arith.constant 0 : i32
    %dma_wait3A_783 = arith.constant 0 : i32
    %dma_wait3A_784 = tpu.memref_slice %arg6[%dma_wait3A_781, %dma_wait3A_782, %dma_wait3A_783] : memref<5x80x128xf32, #tpu.memory_space<vmem>> -> memref<1x80x128xf32, #tpu.memory_space<vmem>>
    %dma_wait3A_785 = tpu.memref_squeeze %dma_wait3A_784 : memref<1x80x128xf32, #tpu.memory_space<vmem>> -> memref<80x128xf32, #tpu.memory_space<vmem>>
    %dma_wait3A_786 = arith.constant 0 : i32
    %dma_wait3A_787 = tpu.memref_slice %arg4[%add3A_780, %dma_wait3A_786] : memref<819200x128xf32, #tpu.memory_space<hbm>> -> memref<80x128xf32, #tpu.memory_space<hbm>>
    %dma_wait3A_788 = arith.constant 0 : i32
    %dma_wait3A_789 = tpu.memref_slice %arg4[%add3A_780, %dma_wait3A_788] : memref<819200x128xf32, #tpu.memory_space<hbm>> -> memref<80x128xf32, #tpu.memory_space<hbm>>
    %dma_wait3A_790 = arith.constant 0 : i32
    %dma_wait3A_791 = arith.constant 0 : i32
    %dma_wait3A_792 = tpu.memref_slice %arg6[%dma_wait3A_781, %dma_wait3A_790, %dma_wait3A_791] : memref<5x80x128xf32, #tpu.memory_space<vmem>> -> memref<1x80x128xf32, #tpu.memory_space<vmem>>
    %dma_wait3A_793 = tpu.memref_squeeze %dma_wait3A_792 : memref<1x80x128xf32, #tpu.memory_space<vmem>> -> memref<80x128xf32, #tpu.memory_space<vmem>>
    tpu.wait_dma2 semaphore(%arg18 : memref<!tpu.dma_semaphore, #tpu.memory_space<semaphore_mem>>) src(%dma_wait3A_793 : memref<80x128xf32, #tpu.memory_space<vmem>>) dst(%dma_wait3A_789 : memref<80x128xf32, #tpu.memory_space<hbm>>)
    %add3A_794 = arith.constant 25280 : i32
    %add3A_795 = arith.addi %mul3A_10, %add3A_794 : i32
    %dma_wait3A_796 = arith.constant 1 : i32
    %dma_wait3A_797 = arith.constant 0 : i32
    %dma_wait3A_798 = arith.constant 0 : i32
    %dma_wait3A_799 = tpu.memref_slice %arg6[%dma_wait3A_796, %dma_wait3A_797, %dma_wait3A_798] : memref<5x80x128xf32, #tpu.memory_space<vmem>> -> memref<1x80x128xf32, #tpu.memory_space<vmem>>
    %dma_wait3A_800 = tpu.memref_squeeze %dma_wait3A_799 : memref<1x80x128xf32, #tpu.memory_space<vmem>> -> memref<80x128xf32, #tpu.memory_space<vmem>>
    %dma_wait3A_801 = arith.constant 0 : i32
    %dma_wait3A_802 = tpu.memref_slice %arg4[%add3A_795, %dma_wait3A_801] : memref<819200x128xf32, #tpu.memory_space<hbm>> -> memref<80x128xf32, #tpu.memory_space<hbm>>
    %dma_wait3A_803 = arith.constant 0 : i32
    %dma_wait3A_804 = tpu.memref_slice %arg4[%add3A_795, %dma_wait3A_803] : memref<819200x128xf32, #tpu.memory_space<hbm>> -> memref<80x128xf32, #tpu.memory_space<hbm>>
    %dma_wait3A_805 = arith.constant 0 : i32
    %dma_wait3A_806 = arith.constant 0 : i32
    %dma_wait3A_807 = tpu.memref_slice %arg6[%dma_wait3A_796, %dma_wait3A_805, %dma_wait3A_806] : memref<5x80x128xf32, #tpu.memory_space<vmem>> -> memref<1x80x128xf32, #tpu.memory_space<vmem>>
    %dma_wait3A_808 = tpu.memref_squeeze %dma_wait3A_807 : memref<1x80x128xf32, #tpu.memory_space<vmem>> -> memref<80x128xf32, #tpu.memory_space<vmem>>
    tpu.wait_dma2 semaphore(%arg19 : memref<!tpu.dma_semaphore, #tpu.memory_space<semaphore_mem>>) src(%dma_wait3A_808 : memref<80x128xf32, #tpu.memory_space<vmem>>) dst(%dma_wait3A_804 : memref<80x128xf32, #tpu.memory_space<hbm>>)
    %add3A_809 = arith.constant 25360 : i32
    %add3A_810 = arith.addi %mul3A_10, %add3A_809 : i32
    %dma_wait3A_811 = arith.constant 2 : i32
    %dma_wait3A_812 = arith.constant 0 : i32
    %dma_wait3A_813 = arith.constant 0 : i32
    %dma_wait3A_814 = tpu.memref_slice %arg6[%dma_wait3A_811, %dma_wait3A_812, %dma_wait3A_813] : memref<5x80x128xf32, #tpu.memory_space<vmem>> -> memref<1x80x128xf32, #tpu.memory_space<vmem>>
    %dma_wait3A_815 = tpu.memref_squeeze %dma_wait3A_814 : memref<1x80x128xf32, #tpu.memory_space<vmem>> -> memref<80x128xf32, #tpu.memory_space<vmem>>
    %dma_wait3A_816 = arith.constant 0 : i32
    %dma_wait3A_817 = tpu.memref_slice %arg4[%add3A_810, %dma_wait3A_816] : memref<819200x128xf32, #tpu.memory_space<hbm>> -> memref<80x128xf32, #tpu.memory_space<hbm>>
    %dma_wait3A_818 = arith.constant 0 : i32
    %dma_wait3A_819 = tpu.memref_slice %arg4[%add3A_810, %dma_wait3A_818] : memref<819200x128xf32, #tpu.memory_space<hbm>> -> memref<80x128xf32, #tpu.memory_space<hbm>>
    %dma_wait3A_820 = arith.constant 0 : i32
    %dma_wait3A_821 = arith.constant 0 : i32
    %dma_wait3A_822 = tpu.memref_slice %arg6[%dma_wait3A_811, %dma_wait3A_820, %dma_wait3A_821] : memref<5x80x128xf32, #tpu.memory_space<vmem>> -> memref<1x80x128xf32, #tpu.memory_space<vmem>>
    %dma_wait3A_823 = tpu.memref_squeeze %dma_wait3A_822 : memref<1x80x128xf32, #tpu.memory_space<vmem>> -> memref<80x128xf32, #tpu.memory_space<vmem>>
    tpu.wait_dma2 semaphore(%arg20 : memref<!tpu.dma_semaphore, #tpu.memory_space<semaphore_mem>>) src(%dma_wait3A_823 : memref<80x128xf32, #tpu.memory_space<vmem>>) dst(%dma_wait3A_819 : memref<80x128xf32, #tpu.memory_space<hbm>>)
    %add3A_824 = arith.constant 25440 : i32
    %add3A_825 = arith.addi %mul3A_10, %add3A_824 : i32
    %dma_wait3A_826 = arith.constant 3 : i32
    %dma_wait3A_827 = arith.constant 0 : i32
    %dma_wait3A_828 = arith.constant 0 : i32
    %dma_wait3A_829 = tpu.memref_slice %arg6[%dma_wait3A_826, %dma_wait3A_827, %dma_wait3A_828] : memref<5x80x128xf32, #tpu.memory_space<vmem>> -> memref<1x80x128xf32, #tpu.memory_space<vmem>>
    %dma_wait3A_830 = tpu.memref_squeeze %dma_wait3A_829 : memref<1x80x128xf32, #tpu.memory_space<vmem>> -> memref<80x128xf32, #tpu.memory_space<vmem>>
    %dma_wait3A_831 = arith.constant 0 : i32
    %dma_wait3A_832 = tpu.memref_slice %arg4[%add3A_825, %dma_wait3A_831] : memref<819200x128xf32, #tpu.memory_space<hbm>> -> memref<80x128xf32, #tpu.memory_space<hbm>>
    %dma_wait3A_833 = arith.constant 0 : i32
    %dma_wait3A_834 = tpu.memref_slice %arg4[%add3A_825, %dma_wait3A_833] : memref<819200x128xf32, #tpu.memory_space<hbm>> -> memref<80x128xf32, #tpu.memory_space<hbm>>
    %dma_wait3A_835 = arith.constant 0 : i32
    %dma_wait3A_836 = arith.constant 0 : i32
    %dma_wait3A_837 = tpu.memref_slice %arg6[%dma_wait3A_826, %dma_wait3A_835, %dma_wait3A_836] : memref<5x80x128xf32, #tpu.memory_space<vmem>> -> memref<1x80x128xf32, #tpu.memory_space<vmem>>
    %dma_wait3A_838 = tpu.memref_squeeze %dma_wait3A_837 : memref<1x80x128xf32, #tpu.memory_space<vmem>> -> memref<80x128xf32, #tpu.memory_space<vmem>>
    tpu.wait_dma2 semaphore(%arg21 : memref<!tpu.dma_semaphore, #tpu.memory_space<semaphore_mem>>) src(%dma_wait3A_838 : memref<80x128xf32, #tpu.memory_space<vmem>>) dst(%dma_wait3A_834 : memref<80x128xf32, #tpu.memory_space<hbm>>)
    %add3A_839 = arith.constant 25520 : i32
    %add3A_840 = arith.addi %mul3A_10, %add3A_839 : i32
    %dma_wait3A_841 = arith.constant 4 : i32
    %dma_wait3A_842 = arith.constant 0 : i32
    %dma_wait3A_843 = arith.constant 0 : i32
    %dma_wait3A_844 = tpu.memref_slice %arg6[%dma_wait3A_841, %dma_wait3A_842, %dma_wait3A_843] : memref<5x80x128xf32, #tpu.memory_space<vmem>> -> memref<1x80x128xf32, #tpu.memory_space<vmem>>
    %dma_wait3A_845 = tpu.memref_squeeze %dma_wait3A_844 : memref<1x80x128xf32, #tpu.memory_space<vmem>> -> memref<80x128xf32, #tpu.memory_space<vmem>>
    %dma_wait3A_846 = arith.constant 0 : i32
    %dma_wait3A_847 = tpu.memref_slice %arg4[%add3A_840, %dma_wait3A_846] : memref<819200x128xf32, #tpu.memory_space<hbm>> -> memref<80x128xf32, #tpu.memory_space<hbm>>
    %dma_wait3A_848 = arith.constant 0 : i32
    %dma_wait3A_849 = tpu.memref_slice %arg4[%add3A_840, %dma_wait3A_848] : memref<819200x128xf32, #tpu.memory_space<hbm>> -> memref<80x128xf32, #tpu.memory_space<hbm>>
    %dma_wait3A_850 = arith.constant 0 : i32
    %dma_wait3A_851 = arith.constant 0 : i32
    %dma_wait3A_852 = tpu.memref_slice %arg6[%dma_wait3A_841, %dma_wait3A_850, %dma_wait3A_851] : memref<5x80x128xf32, #tpu.memory_space<vmem>> -> memref<1x80x128xf32, #tpu.memory_space<vmem>>
    %dma_wait3A_853 = tpu.memref_squeeze %dma_wait3A_852 : memref<1x80x128xf32, #tpu.memory_space<vmem>> -> memref<80x128xf32, #tpu.memory_space<vmem>>
    tpu.wait_dma2 semaphore(%arg22 : memref<!tpu.dma_semaphore, #tpu.memory_space<semaphore_mem>>) src(%dma_wait3A_853 : memref<80x128xf32, #tpu.memory_space<vmem>>) dst(%dma_wait3A_849 : memref<80x128xf32, #tpu.memory_space<hbm>>)
    return
  }
}

</mosaic_0001>

<sc_bundles>
// kernel: _sc_gather.3.cloned.1.call-start
scs
__scs_entry_jumppad:
0x0: {  	(pc) =	sbr.rel $0x88, $3  }
0x1: {  	(tag) =	ssettag $0x0;
	lr =	simm.s32 $0x1  }
0x2: {  	[smem:$0x3F9F] =	sst lr;
	_ =	strace $0xD0000000  }
0x3: {  	_ = 	snop  }
0x4: {  	_ = 	snop  }
0x5: {  	_ = 	snop  }
0x6: {  	_ = 	snop  }
0x7: {  	_ = 	snop  }
__scs_overlays_trampoline_lowered:
0x8: {  	[smem:$0x3FAE] =	sst s0  }
0x9: {  	[smem:$0x3FAF] =	sst s1  }
0xa: {  	[smem:$0x3FB0] =	sst s2  }
0xb: {  	[smem:$0x3FB1] =	sst s3  }
0xc: {  	[smem:$0x3FB2] =	sst s4  }
0xd: {  	[smem:$0x3FB3] =	sst s5  }
0xe: {  	[smem:$0x3FB4] =	sst s6  }
0xf: {  	[smem:$0x3FB5] =	sst s7  }
0x10: {  	[smem:$0x3FB6] =	sst s8  }
0x11: {  	[smem:$0x3FB7] =	sst s9;
	s0 =	simm.s32 @!p0 $0x0  }
0x12: {  	s1 =	sld [smem:$0x3F9D];
	s0 =	simm.s32 @p0 $0x1  }
0x13: {  	[smem:$0x3FB8] =	sst s0;
	s0 =	simm.s32 @!p1 $0x0  }
0x14: {  	s2 =	sld [smem:$0x3F9C];
	s0 =	simm.s32 @p1 $0x1  }
0x15: {  	[smem:$0x3FB9] =	sst s0;
	s0 =	simm.s32 @!p2 $0x0  }
0x16: {  	s3 =	sld [smem:$0x3FDB];
	s0 =	simm.s32 @p2 $0x1  }
0x17: {  	s4 =	simm.s32 $0x1BF5;
	[smem:$0x3FBB] =	sst s0  }
0x18: {  	s0 =	sld [smem:$0x3F9E];
	_ =	swait.ge [sflag:s4], $0x0  }
0x19: {  	s7 =	sld [smem:$0x3F9F]  }
0x1a: {  	s8 =	sadd.s32 $0xFFFFE003, lr  }
0x1b: {  	s9 =	sadd.s32 $0xFFFFFEF7, lr;
	s5 =	simm.s32 $0xFFFFFFFF;
	p2 =	slt.u32 s8, $0xFFFFF086  }
0x1c: {  	p1 =	slt.u32 s9, $0xF7A;
	s5 =	simm.s32 @!p2 $0x0  }
0x1d: {  	s5 =	simm.s32 @p1 $0x1;
	p0 =	seq.s32 s7, s2  }
0x1e: {  	s7 =	smul.u32 @!p0 $0xF7A, s2;
	p2 =	seq.s32 @!p0 s5, $0x0  }
0x1f: {  	s9 =	smul.u32 $0xF7A, s1;
	s8 =	simm.s32 @!p0 $0x1BF5;
	p2 =	por !p2, p0  }
0x20: {  	[sflag:s8] =	ssyncset.s32 @!p0 $0xFFFFF086;
	s6 =	sadd.s32 @!p0 s3, s7;
	s7 =	simm.s32 @!p0 $0x108  }
0x21: {  	s3 =	sadd.s32 s3, s9;
	s6 =	sadd.s32 @!p0 $0x88, s6;
	s7 =	simm.s32 @p2 $0x1082  }
0x22: {  	[simem:s7], [sflag:s8] =	dma.local @!p0 [hbm:s6], $0xF7A  }
0x23: {  	s9 =	sor.u32 $0xD0000000, s2;
	s6 =	simm.s32 $0x108;
	_ =	swait.ge @!p0 [sflag:s8], $0x0  }
0x24: {  	s3 =	sadd.s32 $0x88, s3;
	s6 =	simm.s32 @!p1 $0x1082;
	[sflag:s4] =	ssyncset.s32 $0xFFFFF086  }
0x25: {  	[simem:s6], [sflag:s4] =	dma.local [hbm:s3], $0xF7A  }
0x26: {  	[smem:$0x3F9F] =	sst s1;
	(tag) =	ssettag s2;
	_ =	strace s9  }
0x27: {  	s1 =	sld [smem:$0x3FAF]  }
0x28: {  	s2 =	sld [smem:$0x3FB0]  }
0x29: {  	s4 =	sld [smem:$0x3FB2]  }
0x2a: {  	p0 =	seq.s32 s5, $0x0;
	s5 =	sld [smem:$0x3FB3]  }
0x2b: {  	s6 =	sld [smem:$0x3FB4]  }
0x2c: {  	s7 =	sld [smem:$0x3FB5]  }
0x2d: {  	s3 =	simm.s32 $0x108;
	s8 =	sld [smem:$0x3FB6]  }
0x2e: {  	s3 =	simm.s32 @!p0 $0x1082;
	s9 =	sld [smem:$0x3FB7]  }
0x2f: {  	lr =	sadd.s32 s0, s3;
	s0 =	sld [smem:$0x3FAE]  }
0x30: {  	s3 =	sld [smem:$0x3FB1]  }
0x31: {  	[smem:$0x3FBA] =	sst s10  }
0x32: {  	s10 =	sld [smem:$0x3FB8];
	_ =	sdelay $0x3  }
0x33: {  	p0 =	seq.s32 s10, $0x1;
	s10 =	sld [smem:$0x3FBA];
	_ =	sdelay $0x3  }
0x34: {  	[smem:$0x3FBA] =	sst s10  }
0x35: {  	s10 =	sld [smem:$0x3FB9];
	_ =	sdelay $0x3  }
0x36: {  	p1 =	seq.s32 s10, $0x1;
	s10 =	sld [smem:$0x3FBA];
	_ =	sdelay $0x3  }
0x37: {  	[smem:$0x3FBA] =	sst s10  }
0x38: {  	s10 =	sld [smem:$0x3FBB]  }
0x39: {  	_ = 	snop;
	(pc) =	sbr.ind lr, $3  }
0x3a: {  	_ = 	snop  }
0x3b: {  	_ = 	snop  }
0x3c: {  	p2 =	seq.s32 s10, $0x1;
	s10 =	sld [smem:$0x3FBA]  }
0x3d: {  	_ =	shalt  }
0x3e: {  	_ =	shalt  }
0x3f: {  	_ =	shalt  }
0x40: {  	_ =	shalt  }
0x41: {  	_ =	shalt  }
0x42: {  	_ =	shalt  }
0x43: {  	_ =	shalt  }
0x44: {  	_ =	shalt  }
0x45: {  	_ =	shalt  }
0x46: {  	_ =	shalt  }
0x47: {  	_ =	shalt  }
0x48: {  	_ =	shalt  }
0x49: {  	_ =	shalt  }
0x4a: {  	_ =	shalt  }
0x4b: {  	_ =	shalt  }
0x4c: {  	_ =	shalt  }
0x4d: {  	_ =	shalt  }
0x4e: {  	_ =	shalt  }
0x4f: {  	_ =	shalt  }
0x50: {  	_ =	shalt  }
0x51: {  	_ =	shalt  }
0x52: {  	_ =	shalt  }
0x53: {  	_ =	shalt  }
0x54: {  	_ =	shalt  }
0x55: {  	_ =	shalt  }
0x56: {  	_ =	shalt  }
0x57: {  	_ =	shalt  }
0x58: {  	_ =	shalt  }
0x59: {  	_ =	shalt  }
0x5a: {  	_ =	shalt  }
0x5b: {  	_ =	shalt  }
0x5c: {  	_ =	shalt  }
0x5d: {  	_ =	shalt  }
0x5e: {  	_ =	shalt  }
0x5f: {  	_ =	shalt  }
0x60: {  	_ =	shalt  }
0x61: {  	_ =	shalt  }
0x62: {  	_ =	shalt  }
0x63: {  	_ =	shalt  }
0x64: {  	_ =	shalt  }
0x65: {  	_ =	shalt  }
0x66: {  	_ =	shalt  }
0x67: {  	_ =	shalt  }
0x68: {  	_ =	shalt  }
0x69: {  	_ =	shalt  }
0x6a: {  	_ =	shalt  }
0x6b: {  	_ =	shalt  }
0x6c: {  	_ =	shalt  }
0x6d: {  	_ =	shalt  }
0x6e: {  	_ =	shalt  }
0x6f: {  	_ =	shalt  }
0x70: {  	_ =	shalt  }
0x71: {  	_ =	shalt  }
0x72: {  	_ =	shalt  }
0x73: {  	_ =	shalt  }
0x74: {  	_ =	shalt  }
0x75: {  	_ =	shalt  }
0x76: {  	_ =	shalt  }
0x77: {  	_ =	shalt  }
0x78: {  	_ =	shalt  }
0x79: {  	_ =	shalt  }
0x7a: {  	_ =	shalt  }
0x7b: {  	_ =	shalt  }
0x7c: {  	_ =	shalt  }
0x7d: {  	_ =	shalt  }
0x7e: {  	_ =	shalt  }
0x7f: {  	_ =	shalt  }
0x80: {  	_ =	shalt  }
0x81: {  	_ =	shalt  }
0x82: {  	_ =	shalt  }
0x83: {  	_ =	shalt  }
0x84: {  	_ =	shalt  }
0x85: {  	_ =	shalt  }
0x86: {  	_ =	shalt  }
0x87: {  	_ =	shalt  }
.Lfunc_end0:
.L_simem_size_0:
called_computation_lowered:
.L_overlay_start_0:
0x88: {  	s2 =	sld [smem:$0x3FD9]  }
0x89: {  	s3 =	sld [smem:$0x3FFE];
	_ =	sdelay $0x1  }
0x8a: {  	s1 =	srdreg.scid  }
0x8b: {  	s0 =	sand.u32 $0x1, s1  }
0x8c: {  	s17 =	sshll.u32 s0, $0xA;
	s2 =	sadd.s32 s3, s2  }
0x8d: {  	s2 =	sadd.s32 s2, s17  }
0x8e: {  	[smem:$0x3FC6] =	sst s2  }
0x8f: {  	_ = 	snop  }
0x90: {  	s2 =	sld [smem:$0x3FC9]  }
0x91: {  	s18 =	sld [smem:$0x3FD0];
	(tm) =	ssettm $0x1  }
0x92: {  	s4 =	sld [smem:$0x3FFB];
	_ =	sdelay $0x3  }
0x93: {  	_ =	strace s4  }
0x94: {  	s4 =	sld [smem:$0x3FFC];
	_ =	sdelay $0x3  }
0x95: {  	_ =	strace s4  }
0x96: {  	s4 =	sld [smem:$0x3FFD];
	_ =	sdelay $0x3  }
0x97: {  	_ =	strace s4  }
0x98: {  	_ =	strace $0x8FFFFFFF  }
0x99: {  	s19 =	sld [smem:$0x3FDB];
	_ =	sdelay $0x1  }
0x9a: {  	s5 =	simm.s32 $_scs_section_size  }
0x9b: {  	s6 =	simm.s32 $_size__tile_overlayer_lowered;
	s7 =	simm.s32 $_tile_overlayer_lowered  }
0x9c: {  	s22 =	simm.s32 $0x1BFF;
	s21 =	sshll.u32 s7, $0x1;
	s4 =	sadd.s32 s5, s19  }
0x9d: {  	s8 =	simm.s32 $0x0;
	s20 =	sshll.u32 s6, $0x1;
	s6 =	sadd.s32 s21, s4  }
0x9e: {  	[timem:s8], [sflag:s22] =	dma.local [hbm:s6], s20  }
0x9f: {  	_ =	swait.ge [sflag:s22], s20  }
0xa0: {  	s5 =	ssub.s32 $0x0, s20;
	[sflag:s22] =	ssyncset.done $0x0  }
0xa1: {  	[sflag:s22] =	ssyncadd.s32 s5;
	_ =	sdelay $0x1  }
0xa2: {  	s23 =	simm.s32 $0x1B8B  }
0xa3: {  	_ =	swait.ge [sflag:s23], $0x1  }
0xa4: {  	[sflag:s23] =	ssyncset.done $0x0  }
0xa5: {  	s25 =	simm.s32 $0x1B8E;
	s24 =	sld [smem:$0x3FFE];
	[sflag:s23] =	ssyncadd.s32 $0xFFFFFFFF  }
0xa6: {  	s26 =	simm.s32 $execute0_lowered;
	[smem:$0x3FD2] =	sst s25  }
0xa7: {  	s6 =	sshll.u32 s26, $0x1;
	_ =	strace $0x80000046;
	[dreg:$0x1] =	wrdreg $0xFFFFFFFF  }
0xa8: {  	s28 =	simm.s32 $_size_execute0_lowered;
	s4 =	sadd.s32 s4, s6;
	[dreg:$0x0] =	wrdreg $0x0  }
0xa9: {  	s6 =	sshll.u32 s28, $0x1;
	[dreg:$0x2] =	wrdreg s4  }
0xaa: {  	[dreg:$0x3] =	wrdreg s6  }
0xab: {  	[dreg:$0x4] =	wrdreg $0xC0  }
0xac: {  	_ =	task [dreg:s8], $0x5FFFF  }
0xad: {  	[dreg:$0x1] =	wrdreg $0xFFFFFFFF  }
0xae: {  	[dreg:$0x0] =	wrdreg $0x60  }
0xaf: {  	[dreg:$0x2] =	wrdreg s2  }
0xb0: {  	[dreg:$0x3] =	wrdreg s24  }
0xb1: {  	[dreg:$0x4] =	wrdreg s18  }
0xb2: {  	[dreg:$0x5] =	wrdreg $0xCC000  }
0xb3: {  	[dreg:$0x6] =	wrdreg $0x9  }
0xb4: {  	_ =	task.clear_ibuf [dreg:s8], $0x7FFFF;
	_ =	strace $0x90000046  }
0xb5: {  	s29 =	simm.s32 $0x9;
	_ =	strace $0x80000048  }
0xb6: {  	_ =	swait.ge [sflag:s29], $0x1  }
0xb7: {  	[sflag:s29] =	ssyncadd.s32 $0xFFFFFFFF  }
0xb8: {  	_ =	strace $0x90000048  }
0xb9: {  	_ =	sfence  }
0xba: {  	s30 =	sld [smem:$0x0];
	_ =	sdelay $0x2  }
0xbb: {  	s31 =	sshll.u32 s1, $0xD;
	s1 =	sshrl.u32 s1, $0x2  }
0xbc: {  	s3 =	sand.u32 $0x4000, s31;
	s1 =	sadd.s32 s1, s30  }
0xbd: {  	s0 =	sor.u32 s3, s0;
	s1 =	sshll.u32 s1, $0x11  }
0xbe: {  	s0 =	sor.u32 s1, s0  }
0xbf: {  	s0 =	sadd.s32 $0x8F2B, s0  }
0xc0: {  	[sflag:s0] =	ssyncadd.remote.s32 $0x1  }
0xc1: {  	_ =	sfence.sel $0xFFFF  }
0xc2: {  	[dreg:$0x0] =	wrdreg $0xFFFFFFFF;
	(pc) =	sbr.abs _section_cstart, $3  }
0xc3: {  	[dreg:$0x1] =	wrdreg $0xFFFFFFFF  }
0xc4: {  	_ =	task.clear_ibuf [dreg:s8], $0x2FFFF;
	_ =	strace $0x9FFFFFFF  }
0xc5: {  	(tm) =	ssettm $0x7FFFFFFF  }
tec
execute0_lowered:
.L_overlay_start_1:
0x0: {  	(tag) =	ssettag $0x1  }
0x1: {  	s0 =	rddreg [dreg:$0x0]  }
0x2: {  	s3 =	rddreg [dreg:$0x1]  }
0x3: {  	s5 =	rddreg [dreg:$0x2]  }
0x4: {  	s1 =	rddreg [dreg:$0x3]  }
0x5: {  	s2 =	simm.s32 $0x0;
	s4 =	srdreg.scid;
	s13 =	stileid.u32  }
0x6: {  	s28 =	simm.s32 $0xA;
	[smem:$0x7FF] =	sst s2;
	s6 =	sand.u32 $0x1, s4  }
0x7: {  	s8 =	sshll.u32 s13, $0x1;
	s9 =	sshll.u32 s13, $0xD;
	s31 =	smul.u32 $0x2800, s13  }
0x8: {  	_ =	strace $0x80000047;
	s7 =	ssub.s32 $0x2, s6;
	s25 =	smul.u32 $0x64000, s6  }
0x9: {  	s18 =	sor.u32 s6, s8;
	s9 =	sadd.s32 s0, s9;
	s6 =	smul.u32 $0x1400, s6  }
0xa: {  	s0 =	sadd.s32 $0x1E000, s0;
	[dreg:$0x6] =	wrdreg s9;
	s11 =	smul.u32 $0x64000, s18  }
0xb: {  	s10 =	smul.u32 $0x1400, s18;
	[dreg:$0x7] =	wrdreg s0;
	s6 =	sadd.s32 s6, s31  }
0xc: {  	s4 =	sadd.s32 $0x400, s3;
	s15 =	sadd.s32 s5, s11;
	[dreg:$0x5] =	wrdreg s6  }
0xd: {  	s29 =	simm.s32 $0xE;
	s14 =	sadd.s32 s4, s10;
	[dreg:$0xd] =	wrdreg s15  }
0xe: {  	s20 =	smul.u32 $0x320000, s18;
	s10 =	sadd.s32 $0x10, s14;
	[dreg:$0x8] =	wrdreg s14  }
0xf: {  	s24 =	smul.u32 $0xC8000, s13;
	s21 =	sadd.s32 $0x20, s14;
	[dreg:$0x9] =	wrdreg s10  }
0x10: {  	s0 =	sshrl.u32 s20, $0x3;
	s22 =	sadd.s32 $0x30, s14;
	[dreg:$0xa] =	wrdreg s21  }
0x11: {  	s23 =	sadd.s32 $0x40, s14;
	s0 =	sadd.s32 s5, s0;
	[dreg:$0xb] =	wrdreg s22  }
0x12: {  	s5 =	sadd.s32 s24, s5;
	s24 =	sadd.s32 $0x500, s15;
	[dreg:$0xc] =	wrdreg s23  }
0x13: {  	s30 =	simm.s32 $0xF;
	s31 =	sadd.s32 $0x70, s14;
	[dreg:$0x1c] =	wrdreg s24  }
0x14: {  	s19 =	sshll.u32 s13, $0x10;
	s12 =	sadd.s32 $0x61D00, s0;
	[dreg:$0x1f] =	wrdreg s31  }
0x15: {  	s17 =	sshrl.u32 s7, $0x1;
	s16 =	sadd.s32 $0x62200, s0;
	[dreg:$0xe] =	wrdreg s12  }
0x16: {  	s3 =	ssub.s32 s7, s17;
	s17 =	sadd.s32 $0x62700, s0;
	[dreg:$0x10] =	wrdreg s16  }
0x17: {  	s7 =	smul.u32 $0xA000, s18;
	s18 =	sadd.s32 $0x62C00, s0;
	[dreg:$0x12] =	wrdreg s17  }
0x18: {  	s8 =	sadd.s32 s19, s1;
	s19 =	sadd.s32 $0x63100, s0;
	[dreg:$0x13] =	wrdreg s18  }
0x19: {  	p0 =	seq.s32 s13, $0xF;
	s20 =	sadd.s32 $0x63600, s0;
	[dreg:$0x14] =	wrdreg s19  }
0x1a: {  	s9 =	sadd.s32 $0xF0000, s1;
	s0 =	sadd.s32 $0x63B00, s0;
	[dreg:$0x15] =	wrdreg s20  }
0x1b: {  	s7 =	sshrl.u32 s7, $0x3;
	s21 =	smax.u32 s3, $0x1;
	[dreg:$0x16] =	wrdreg s0  }
0x1c: {  	s7 =	sadd.s32 s4, s7;
	s23 =	sadd.s32 $0x50, s14;
	[dreg:$0x17] =	wrdreg s21  }
0x1d: {  	s5 =	sadd.s32 s25, s5;
	s25 =	sadd.s32 $0x60, s14;
	[dreg:$0x1b] =	wrdreg s23  }
0x1e: {  	s6 =	simm.s32 $0x50;
	s26 =	sadd.s32 $0x13E0, s7;
	[dreg:$0x1d] =	wrdreg s25  }
0x1f: {  	s24 =	simm.s32 $0xB;
	s7 =	sadd.s32 $0x13F0, s7;
	[dreg:$0xf] =	wrdreg s26  }
0x20: {  	s3 =	simm.s32 $0x0;
	s22 =	sadd.s32 $0x2300, s5;
	[dreg:$0x11] =	wrdreg s7  }
0x21: {  	s0 =	sshrl.u32 @p0 s9, $0x3;
	s20 =	simm.s32 $0x5;
	[dreg:$0x18] =	wrdreg s22  }
0x22: {  	s25 =	simm.s32 $0x9;
	[dreg:$0x19] =	wrdreg s0;
	s0 =	sshrl.u32 @!p0 s8, $0x3  }
0x23: {  	s12 =	simm.s32 $0xD;
	s26 =	sadd.s32 $0xA00, s15;
	[dreg:$0x1a] =	wrdreg s0  }
0x24: {  	s22 =	simm.s32 $0x8;
	[dreg:$0x1e] =	wrdreg s26;
	s26 =	simm.s32 $0xC  }
.LBB2_1:
0x25: {  	[smem:$0x7FD] =	sst s3  }
0x26: {  	s3 =	rddreg [dreg:$0x7]  }
0x27: {  	s0 =	simm.s32 @p0 $0x1FD0;
	s7 =	rddreg [dreg:$0x19]  }
0x28: {  	[spmem:s7], [sflag:s0] =	dma.local @p0 [hbm:s3], $0x2010  }
0x29: {  	s0 =	simm.s32 @p0 $0x10  }
0x2a: {  	s3 =	stileid.u32;
	_ =	swait.ge @p0 [sflag:s0], $0x2010  }
0x2b: {  	s3 =	sshll.u32 @!p0 s3, $0x6;
	[sflag:s0] =	ssyncset.done @p0 $0x0;
	s7 =	rddreg [dreg:$0x1a]  }
0x2c: {  	[sflag:s0] =	ssyncadd.s32 @p0 $0xFFFFDFF0;
	s0 =	sor.u32 @!p0 $0x1C10, s3;
	s3 =	rddreg [dreg:$0x6]  }
0x2d: {  	[spmem:s7], [sflag:s0] =	dma.local @!p0 [hbm:s3], $0x2000  }
0x2e: {  	s0 =	simm.s32 @!p0 $0x10  }
0x2f: {  	_ =	swait.ge @!p0 [sflag:s0], $0x2000  }
0x30: {  	[sflag:s0] =	ssyncset.done @!p0 $0x0  }
0x31: {  	s16 =	rddreg [dreg:$0x8];
	[sflag:s0] =	ssyncadd.s32 @!p0 $0xFFFFE000  }
0x32: {  	[tilespmem:s2], [sflag:$0x1] =	stream.linear.gather [hbm4b:s16+s2], $0x80, $0x38;
	[tilespmem:$0x1CC08] =	vst v63  }
0x33: {  	s9 =	simm.s32 $0x80;
	s17 =	rddreg [dreg:$0x9]  }
0x34: {  	[tilespmem:s9], [sflag:$0x2] =	stream.linear.gather [hbm4b:s17+s2], $0x80, $0x38;
	[tilespmem:$0x1CC08] =	vst v63  }
0x35: {  	s11 =	simm.s32 $0x100;
	s18 =	rddreg [dreg:$0xa]  }
0x36: {  	[tilespmem:s11], [sflag:$0x3] =	stream.linear.gather [hbm4b:s18+s2], $0x80, $0x38;
	[tilespmem:$0x1CC08] =	vst v63  }
0x37: {  	s3 =	simm.s32 $0x1;
	[bflag:$0x0] =	sbarrier.arrive $0xFFFF  }
0x38: {  	_ =	swait.ge [sflag:s3], $0x80  }
0x39: {  	[sflag:s3] =	ssyncset.done $0x0  }
0x3a: {  	s13 =	simm.s32 $0x400;
	[sflag:s3] =	ssyncadd.s32 $0xFFFFFF80  }
0x3b: {  	[tilespmem:s13], [sflag:$0x6] =	stream.indirect.gather [spmem:s1], $0x80, s2, s6, $0xb8;
	[tilespmem:$0x1CC08] =	vst v63  }
0x3c: {  	s15 =	simm.s32 $0x180;
	s10 =	simm.s32 $0x2;
	s19 =	rddreg [dreg:$0xb]  }
0x3d: {  	[tilespmem:s15], [sflag:$0x4] =	stream.linear.gather [hbm4b:s19+s2], $0x80, $0x38;
	[tilespmem:$0x1CC08] =	vst v63  }
0x3e: {  	_ =	swait.ge [sflag:s10], $0x80  }
0x3f: {  	[sflag:s10] =	ssyncset.done $0x0  }
0x40: {  	s21 =	simm.s32 $0x2C00;
	[sflag:s10] =	ssyncadd.s32 $0xFFFFFF80  }
0x41: {  	[tilespmem:s21], [sflag:$0x7] =	stream.indirect.gather [spmem:s1], $0x80, s9, s6, $0xb8;
	[tilespmem:$0x1CC08] =	vst v63  }
0x42: {  	s14 =	simm.s32 $0x200;
	s18 =	simm.s32 $0x3;
	s23 =	rddreg [dreg:$0xc]  }
0x43: {  	[tilespmem:s14], [sflag:$0x5] =	stream.linear.gather [hbm4b:s23+s2], $0x80, $0x38;
	[tilespmem:$0x1CC08] =	vst v63  }
0x44: {  	_ =	swait.ge [sflag:s18], $0x80  }
0x45: {  	[sflag:s18] =	ssyncset.done $0x0  }
0x46: {  	s16 =	simm.s32 $0x5400;
	s21 =	simm.s32 $0x6;
	[sflag:s18] =	ssyncadd.s32 $0xFFFFFF80  }
0x47: {  	[tilespmem:s16], [sflag:$0x8] =	stream.indirect.gather [spmem:s1], $0x80, s11, s6, $0xb8;
	[tilespmem:$0x1CC08] =	vst v63  }
0x48: {  	_ =	swait.ge [sflag:s21], $0x2800  }
0x49: {  	[sflag:s21] =	ssyncset.done $0x0  }
0x4a: {  	s5 =	rddreg [dreg:$0xd];
	[sflag:s21] =	ssyncadd.s32 $0xFFFFD800  }
0x4b: {  	[hbm4b:s5+s2] =	stream.linear.scatter [tilespmem:s13], [sflag:$0xB], $0x2800, $0x38;
	[tilespmem:$0x1CC08] =	vst v63  }
0x4c: {  	s23 =	simm.s32 $0x4;
	s8 =	rddreg [dreg:$0x1b]  }
0x4d: {  	[tilespmem:s2], [sflag:$0x1] =	stream.linear.gather [hbm4b:s8+s2], $0x80, $0x38;
	[tilespmem:$0x1CC08] =	vst v63  }
0x4e: {  	_ =	swait.ge [sflag:s23], $0x80  }
0x4f: {  	[sflag:s23] =	ssyncset.done $0x0  }
0x50: {  	s17 =	simm.s32 $0x7C00;
	s5 =	simm.s32 $0x7;
	[sflag:s23] =	ssyncadd.s32 $0xFFFFFF80  }
0x51: {  	[tilespmem:s17], [sflag:$0x9] =	stream.indirect.gather [spmem:s1], $0x80, s15, s6, $0xb8;
	[tilespmem:$0x1CC08] =	vst v63  }
0x52: {  	_ =	swait.ge [sflag:s5], $0x2800  }
0x53: {  	[sflag:s5] =	ssyncset.done $0x0  }
0x54: {  	s7 =	simm.s32 $0x2C00;
	s19 =	rddreg [dreg:$0x1c];
	[sflag:s5] =	ssyncadd.s32 $0xFFFFD800  }
0x55: {  	[hbm4b:s19+s2] =	stream.linear.scatter [tilespmem:s7], [sflag:$0xC], $0x2800, $0x38;
	[tilespmem:$0x1CC08] =	vst v63  }
0x56: {  	s8 =	rddreg [dreg:$0x1d]  }
0x57: {  	[tilespmem:s9], [sflag:$0x2] =	stream.linear.gather [hbm4b:s8+s2], $0x80, $0x38;
	[tilespmem:$0x1CC08] =	vst v63  }
0x58: {  	_ =	swait.ge [sflag:s20], $0x80  }
0x59: {  	[sflag:s20] =	ssyncset.done $0x0  }
0x5a: {  	s19 =	simm.s32 $0xA400;
	[sflag:s20] =	ssyncadd.s32 $0xFFFFFF80  }
0x5b: {  	[tilespmem:s19], [sflag:$0xA] =	stream.indirect.gather [spmem:s1], $0x80, s14, s6, $0xb8;
	[tilespmem:$0x1CC08] =	vst v63  }
0x5c: {  	_ =	swait.ge [sflag:s22], $0x2800  }
0x5d: {  	[sflag:s22] =	ssyncset.done $0x0  }
0x5e: {  	s17 =	rddreg [dreg:$0x1e];
	[sflag:s22] =	ssyncadd.s32 $0xFFFFD800  }
0x5f: {  	[hbm4b:s17+s2] =	stream.linear.scatter [tilespmem:s16], [sflag:$0xD], $0x2800, $0x38;
	[tilespmem:$0x1CC08] =	vst v63  }
0x60: {  	s7 =	rddreg [dreg:$0x1f]  }
0x61: {  	[tilespmem:s11], [sflag:$0x3] =	stream.linear.gather [hbm4b:s7+s2], $0x80, $0x38;
	[tilespmem:$0x1CC08] =	vst v63  }
0x62: {  	_ =	swait.ge [sflag:s24], $0x2800  }
0x63: {  	[sflag:s24] =	ssyncset.done $0x0  }
0x64: {  	[sflag:s24] =	ssyncadd.s32 $0xFFFFD800  }
0x65: {  	_ =	swait.ge [sflag:s3], $0x80  }
0x66: {  	[sflag:s3] =	ssyncset.done $0x0  }
0x67: {  	[sflag:s3] =	ssyncadd.s32 $0xFFFFFF80  }
0x68: {  	[tilespmem:s13], [sflag:$0x6] =	stream.indirect.gather [spmem:s1], $0x80, s2, s6, $0xb8;
	[tilespmem:$0x1CC08] =	vst v63  }
0x69: {  	s17 =	simm.s32 $0x80;
	_ =	swait.ge [sflag:s25], $0x2800  }
0x6a: {  	s3 =	sand.u32 $0x70, s17;
	s17 =	simm.s32 $0x7C00;
	s8 =	rddreg [dreg:$0x5]  }
0x6b: {  	[sflag:s25] =	ssyncset.done $0x0;
	s31 =	rddreg [dreg:$0x18];
	s7 =	sadd.s32 $0xC0, s8  }
0x6c: {  	s0 =	sadd.s32 $0xFFFFEC00, s31;
	[sflag:s25] =	ssyncadd.s32 $0xFFFFD800;
	s8 =	sadd.s32 $0xFFFFFFC0, s7  }
0x6d: {  	[hbm4b:s0+s2] =	stream.linear.scatter [tilespmem:s17], [sflag:$0xE], $0x2800, $0x38;
	[tilespmem:$0x1CC08] =	vst v63  }
0x6e: {  	s3 =	sadd.s32 s4, s3;
	s8 =	sand.u32 $0xFFFFF80, s8  }
0x6f: {  	s0 =	sadd.s32 s8, s3  }
0x70: {  	[tilespmem:s15], [sflag:$0x4] =	stream.linear.gather [hbm4b:s0+s2], $0x80, $0x38;
	[tilespmem:$0x1CC08] =	vst v63  }
0x71: {  	_ =	swait.ge [sflag:s26], $0x2800  }
0x72: {  	[sflag:s26] =	ssyncset.done $0x0  }
0x73: {  	[sflag:s26] =	ssyncadd.s32 $0xFFFFD800  }
0x74: {  	_ =	swait.ge [sflag:s10], $0x80  }
0x75: {  	[sflag:s10] =	ssyncset.done $0x0  }
0x76: {  	[sflag:s10] =	ssyncadd.s32 $0xFFFFFF80;
	s10 =	simm.s32 $0x2C00  }
0x77: {  	[tilespmem:s10], [sflag:$0x7] =	stream.indirect.gather [spmem:s1], $0x80, s9, s6, $0xb8;
	[tilespmem:$0x1CC08] =	vst v63  }
0x78: {  	s8 =	simm.s32 $0x90;
	s3 =	sadd.s32 $0xFFFFFFD0, s7;
	_ =	swait.ge [sflag:s28], $0x2800  }
0x79: {  	s0 =	sand.u32 $0x70, s8;
	s8 =	sadd.s32 $0xFFFFF100, s31;
	[sflag:s28] =	ssyncset.done $0x0  }
0x7a: {  	s3 =	sand.u32 $0xFFFFF80, s3;
	s0 =	sadd.s32 s4, s0;
	[sflag:s28] =	ssyncadd.s32 $0xFFFFD800  }
0x7b: {  	[hbm4b:s8+s2] =	stream.linear.scatter [tilespmem:s19], [sflag:$0xF], $0x2800, $0x38;
	[tilespmem:$0x1CC08] =	vst v63  }
0x7c: {  	s0 =	sadd.s32 s3, s0  }
0x7d: {  	[tilespmem:s14], [sflag:$0x5] =	stream.linear.gather [hbm4b:s0+s2], $0x80, $0x38;
	[tilespmem:$0x1CC08] =	vst v63  }
0x7e: {  	_ =	swait.ge [sflag:s12], $0x2800  }
0x7f: {  	[sflag:s12] =	ssyncset.done $0x0  }
0x80: {  	[sflag:s12] =	ssyncadd.s32 $0xFFFFD800  }
0x81: {  	_ =	swait.ge [sflag:s18], $0x80  }
0x82: {  	[sflag:s18] =	ssyncset.done $0x0  }
0x83: {  	s14 =	simm.s32 $0xA0;
	[sflag:s18] =	ssyncadd.s32 $0xFFFFFF80  }
0x84: {  	[tilespmem:s16], [sflag:$0x8] =	stream.indirect.gather [spmem:s1], $0x80, s11, s6, $0xb8;
	[tilespmem:$0x1CC08] =	vst v63  }
0x85: {  	s0 =	sand.u32 $0x70, s14;
	_ =	swait.ge [sflag:s21], $0x2800  }
0x86: {  	s0 =	sadd.s32 s4, s0;
	s16 =	sadd.s32 $0xFFFFFFE0, s7;
	[sflag:s21] =	ssyncset.done $0x0  }
0x87: {  	s18 =	sadd.s32 $0xFFFFF600, s31;
	s3 =	sand.u32 $0xFFFFF80, s16;
	[sflag:s21] =	ssyncadd.s32 $0xFFFFD800  }
0x88: {  	[hbm4b:s18+s2] =	stream.linear.scatter [tilespmem:s13], [sflag:$0xB], $0x2800, $0x38;
	[tilespmem:$0x1CC08] =	vst v63  }
0x89: {  	s0 =	sadd.s32 s3, s0  }
0x8a: {  	[tilespmem:s2], [sflag:$0x1] =	stream.linear.gather [hbm4b:s0+s2], $0x80, $0x38;
	[tilespmem:$0x1CC08] =	vst v63  }
0x8b: {  	_ =	swait.ge [sflag:s29], $0x2800  }
0x8c: {  	[sflag:s29] =	ssyncset.done $0x0  }
0x8d: {  	[sflag:s29] =	ssyncadd.s32 $0xFFFFD800  }
0x8e: {  	_ =	swait.ge [sflag:s23], $0x80  }
0x8f: {  	[sflag:s23] =	ssyncset.done $0x0  }
0x90: {  	s17 =	simm.s32 $0x7C00;
	s21 =	simm.s32 $0xB0;
	[sflag:s23] =	ssyncadd.s32 $0xFFFFFF80  }
0x91: {  	[tilespmem:s17], [sflag:$0x9] =	stream.indirect.gather [spmem:s1], $0x80, s15, s6, $0xb8;
	[tilespmem:$0x1CC08] =	vst v63  }
0x92: {  	s3 =	sand.u32 $0x70, s21;
	_ =	swait.ge [sflag:s5], $0x2800  }
0x93: {  	s19 =	sadd.s32 $0xFFFFFFF0, s7;
	s3 =	sadd.s32 s4, s3;
	[sflag:s5] =	ssyncset.done $0x0  }
0x94: {  	s0 =	sand.u32 $0xFFFFF80, s19;
	s23 =	sadd.s32 $0xFFFFFB00, s31;
	[sflag:s5] =	ssyncadd.s32 $0xFFFFD800  }
0x95: {  	[hbm4b:s23+s2] =	stream.linear.scatter [tilespmem:s10], [sflag:$0xC], $0x2800, $0x38;
	[tilespmem:$0x1CC08] =	vst v63  }
0x96: {  	s0 =	sadd.s32 s0, s3  }
0x97: {  	[tilespmem:s9], [sflag:$0x2] =	stream.linear.gather [hbm4b:s0+s2], $0x80, $0x38;
	[tilespmem:$0x1CC08] =	vst v63  }
0x98: {  	_ =	swait.ge [sflag:s30], $0x2800  }
0x99: {  	s3 =	smov.u32 s31;
	[sflag:s30] =	ssyncset.done $0x0  }
0x9a: {  	s23 =	simm.s32 $0xC0;
	s0 =	simm.s32 $0x110;
	[sflag:s30] =	ssyncadd.s32 $0xFFFFD800  }
.LBB2_2:
0x9b: {  	_ =	swait.ge [sflag:s20], $0x80  }
0x9c: {  	[sflag:s20] =	ssyncset.done $0x0  }
0x9d: {  	s14 =	simm.s32 $0x200;
	s19 =	simm.s32 $0xA400;
	[sflag:s20] =	ssyncadd.s32 $0xFFFFFF80  }
0x9e: {  	[tilespmem:s19], [sflag:$0xA] =	stream.indirect.gather [spmem:s1], $0x80, s14, s6, $0xb8;
	[tilespmem:$0x1CC08] =	vst v63  }
0x9f: {  	_ =	swait.ge [sflag:s22], $0x2800  }
0xa0: {  	s9 =	sand.u32 $0x70, s23;
	s7 =	sand.u32 $0xFFFFF80, s7;
	[sflag:s22] =	ssyncset.done $0x0  }
0xa1: {  	s16 =	simm.s32 $0x5400;
	s5 =	sadd.s32 s4, s9;
	[sflag:s22] =	ssyncadd.s32 $0xFFFFD800  }
0xa2: {  	[hbm4b:s31+s2] =	stream.linear.scatter [tilespmem:s16], [sflag:$0xD], $0x2800, $0x38;
	[tilespmem:$0x1CC08] =	vst v63  }
0xa3: {  	s18 =	simm.s32 $0x100;
	s7 =	sadd.s32 s7, s5  }
0xa4: {  	[tilespmem:s18], [sflag:$0x3] =	stream.linear.gather [hbm4b:s7+s2], $0x80, $0x38;
	[tilespmem:$0x1CC08] =	vst v63  }
0xa5: {  	_ =	swait.ge [sflag:s24], $0x2800  }
0xa6: {  	[sflag:s24] =	ssyncset.done $0x0  }
0xa7: {  	s5 =	simm.s32 $0x1;
	[sflag:s24] =	ssyncadd.s32 $0xFFFFD800  }
0xa8: {  	_ =	swait.ge [sflag:s5], $0x80  }
0xa9: {  	s8 =	smov.u32 s0;
	[sflag:s5] =	ssyncset.done $0x0  }
0xaa: {  	s21 =	simm.s32 $0x400;
	s23 =	smov.u32 s8;
	[sflag:s5] =	ssyncadd.s32 $0xFFFFFF80  }
0xab: {  	[tilespmem:s21], [sflag:$0x6] =	stream.indirect.gather [spmem:s1], $0x80, s2, s6, $0xb8;
	[tilespmem:$0x1CC08] =	vst v63  }
0xac: {  	s3 =	sadd.s32 $0x1900, s3;
	s8 =	sadd.s32 $0xFFFFFFC0, s23;
	_ =	swait.ge [sflag:s25], $0x2800  }
0xad: {  	s17 =	simm.s32 $0x7C00;
	s7 =	sand.u32 $0x70, s8;
	s9 =	rddreg [dreg:$0x5]  }
0xae: {  	s10 =	sadd.s32 s4, s7;
	[sflag:s25] =	ssyncset.done $0x0;
	s7 =	sadd.s32 s23, s9  }
0xaf: {  	s11 =	sadd.s32 $0xFFFFEC00, s3;
	[sflag:s25] =	ssyncadd.s32 $0xFFFFD800;
	s13 =	sadd.s32 $0xFFFFFFC0, s7  }
0xb0: {  	[hbm4b:s11+s2] =	stream.linear.scatter [tilespmem:s17], [sflag:$0xE], $0x2800, $0x38;
	[tilespmem:$0x1CC08] =	vst v63  }
0xb1: {  	s13 =	sand.u32 $0xFFFFF80, s13  }
0xb2: {  	s5 =	simm.s32 $0x180;
	s9 =	sadd.s32 s13, s10  }
0xb3: {  	[tilespmem:s5], [sflag:$0x4] =	stream.linear.gather [hbm4b:s9+s2], $0x80, $0x38;
	[tilespmem:$0x1CC08] =	vst v63  }
0xb4: {  	_ =	swait.ge [sflag:s26], $0x2800  }
0xb5: {  	[sflag:s26] =	ssyncset.done $0x0  }
0xb6: {  	s10 =	simm.s32 $0x2;
	[sflag:s26] =	ssyncadd.s32 $0xFFFFD800  }
0xb7: {  	s15 =	sadd.s32 $0xFFFFFFD0, s23;
	_ =	swait.ge [sflag:s10], $0x80  }
0xb8: {  	s9 =	sand.u32 $0x70, s15;
	[sflag:s10] =	ssyncset.done $0x0  }
0xb9: {  	s15 =	simm.s32 $0x80;
	[sflag:s10] =	ssyncadd.s32 $0xFFFFFF80;
	s10 =	simm.s32 $0x2C00  }
0xba: {  	[tilespmem:s10], [sflag:$0x7] =	stream.indirect.gather [spmem:s1], $0x80, s15, s6, $0xb8;
	[tilespmem:$0x1CC08] =	vst v63  }
0xbb: {  	s11 =	sadd.s32 $0xFFFFFFD0, s7;
	_ =	swait.ge [sflag:s28], $0x2800  }
0xbc: {  	s11 =	sand.u32 $0xFFFFF80, s11;
	[sflag:s28] =	ssyncset.done $0x0  }
0xbd: {  	s13 =	sadd.s32 $0xFFFFF100, s3;
	s9 =	sadd.s32 s4, s9;
	[sflag:s28] =	ssyncadd.s32 $0xFFFFD800  }
0xbe: {  	[hbm4b:s13+s2] =	stream.linear.scatter [tilespmem:s19], [sflag:$0xF], $0x2800, $0x38;
	[tilespmem:$0x1CC08] =	vst v63  }
0xbf: {  	s9 =	sadd.s32 s11, s9  }
0xc0: {  	[tilespmem:s14], [sflag:$0x5] =	stream.linear.gather [hbm4b:s9+s2], $0x80, $0x38;
	[tilespmem:$0x1CC08] =	vst v63  }
0xc1: {  	_ =	swait.ge [sflag:s12], $0x2800  }
0xc2: {  	[sflag:s12] =	ssyncset.done $0x0  }
0xc3: {  	s19 =	simm.s32 $0x3;
	[sflag:s12] =	ssyncadd.s32 $0xFFFFD800  }
0xc4: {  	_ =	swait.ge [sflag:s19], $0x80  }
0xc5: {  	[sflag:s19] =	ssyncset.done $0x0  }
0xc6: {  	[sflag:s19] =	ssyncadd.s32 $0xFFFFFF80  }
0xc7: {  	[tilespmem:s16], [sflag:$0x8] =	stream.indirect.gather [spmem:s1], $0x80, s18, s6, $0xb8;
	[tilespmem:$0x1CC08] =	vst v63  }
0xc8: {  	s18 =	simm.s32 $0x6  }
0xc9: {  	s11 =	sadd.s32 $0xFFFFFFE0, s7;
	s14 =	sadd.s32 $0xFFFFFFE0, s23;
	_ =	swait.ge [sflag:s18], $0x2800  }
0xca: {  	s11 =	sand.u32 $0xFFFFF80, s11;
	s9 =	sand.u32 $0x70, s14;
	[sflag:s18] =	ssyncset.done $0x0  }
0xcb: {  	s9 =	sadd.s32 s4, s9;
	s19 =	sadd.s32 $0xFFFFF600, s3;
	[sflag:s18] =	ssyncadd.s32 $0xFFFFD800  }
0xcc: {  	[hbm4b:s19+s2] =	stream.linear.scatter [tilespmem:s21], [sflag:$0xB], $0x2800, $0x38;
	[tilespmem:$0x1CC08] =	vst v63  }
0xcd: {  	s9 =	sadd.s32 s11, s9  }
0xce: {  	[tilespmem:s2], [sflag:$0x1] =	stream.linear.gather [hbm4b:s9+s2], $0x80, $0x38;
	[tilespmem:$0x1CC08] =	vst v63  }
0xcf: {  	_ =	swait.ge [sflag:s29], $0x2800  }
0xd0: {  	[sflag:s29] =	ssyncset.done $0x0  }
0xd1: {  	s16 =	simm.s32 $0x4;
	[sflag:s29] =	ssyncadd.s32 $0xFFFFD800  }
0xd2: {  	_ =	swait.ge [sflag:s16], $0x80  }
0xd3: {  	[sflag:s16] =	ssyncset.done $0x0  }
0xd4: {  	p1 =	sne.s32 s0, $0x13D0;
	s18 =	simm.s32 $0x7;
	[sflag:s16] =	ssyncadd.s32 $0xFFFFFF80  }
0xd5: {  	[tilespmem:s17], [sflag:$0x9] =	stream.indirect.gather [spmem:s1], $0x80, s5, s6, $0xb8;
	[tilespmem:$0x1CC08] =	vst v63  }
0xd6: {  	s8 =	sadd.s32 $0xFFFFFFF0, s7;
	s21 =	sadd.s32 $0xFFFFFFF0, s23;
	_ =	swait.ge [sflag:s18], $0x2800  }
0xd7: {  	s8 =	sand.u32 $0xFFFFF80, s8;
	s11 =	sand.u32 $0x70, s21;
	[sflag:s18] =	ssyncset.done $0x0  }
0xd8: {  	s19 =	sadd.s32 $0xFFFFFB00, s3;
	s11 =	sadd.s32 s4, s11;
	[sflag:s18] =	ssyncadd.s32 $0xFFFFD800  }
0xd9: {  	[hbm4b:s19+s2] =	stream.linear.scatter [tilespmem:s10], [sflag:$0xC], $0x2800, $0x38;
	[tilespmem:$0x1CC08] =	vst v63  }
.Ltmp0:
0xda: {  	s8 =	sadd.s32 s8, s11;
	(pc) =	sbr.rel @p1 .LBB2_2-.Ltmp0, $4  }
0xdb: {  	[tilespmem:s15], [sflag:$0x2] =	stream.linear.gather [hbm4b:s8+s2], $0x80, $0x38;
	[tilespmem:$0x1CC08] =	vst v63  }
0xdc: {  	_ =	swait.ge [sflag:s30], $0x2800  }
0xdd: {  	s0 =	sadd.s32 $0x50, s0;
	[sflag:s30] =	ssyncset.done $0x0  }
0xde: {  	s31 =	smov.u32 s3;
	s9 =	simm.s32 $0x80;
	[sflag:s30] =	ssyncadd.s32 $0xFFFFD800  }
0xdf: {  	_ =	swait.ge [sflag:s20], $0x80  }
0xe0: {  	[sflag:s20] =	ssyncset.done $0x0  }
0xe1: {  	s10 =	simm.s32 $0x200;
	s14 =	simm.s32 $0xA400;
	[sflag:s20] =	ssyncadd.s32 $0xFFFFFF80  }
0xe2: {  	[tilespmem:s14], [sflag:$0xA] =	stream.indirect.gather [spmem:s1], $0x80, s10, s6, $0xb8;
	[tilespmem:$0x1CC08] =	vst v63  }
0xe3: {  	_ =	swait.ge [sflag:s22], $0x2800  }
0xe4: {  	s11 =	simm.s32 $0x5400;
	s0 =	sand.u32 $0x70, s23;
	[sflag:s22] =	ssyncset.done $0x0  }
0xe5: {  	s3 =	sand.u32 $0xFFFFF80, s7;
	s0 =	sadd.s32 s4, s0;
	[sflag:s22] =	ssyncadd.s32 $0xFFFFD800  }
0xe6: {  	[hbm4b:s31+s2] =	stream.linear.scatter [tilespmem:s11], [sflag:$0xD], $0x2800, $0x38;
	[tilespmem:$0x1CC08] =	vst v63  }
0xe7: {  	s7 =	simm.s32 $0x100;
	s0 =	sadd.s32 s3, s0  }
0xe8: {  	[tilespmem:s7], [sflag:$0x3] =	stream.linear.gather [hbm4b:s0+s2], $0x80, $0x38;
	[tilespmem:$0x1CC08] =	vst v63  }
0xe9: {  	_ =	swait.ge [sflag:s24], $0x2800  }
0xea: {  	[sflag:s24] =	ssyncset.done $0x0  }
0xeb: {  	s15 =	simm.s32 $0x1;
	[sflag:s24] =	ssyncadd.s32 $0xFFFFD800  }
0xec: {  	_ =	swait.ge [sflag:s15], $0x80  }
0xed: {  	[sflag:s15] =	ssyncset.done $0x0  }
0xee: {  	s16 =	simm.s32 $0x400;
	[sflag:s15] =	ssyncadd.s32 $0xFFFFFF80  }
0xef: {  	[tilespmem:s16], [sflag:$0x6] =	stream.indirect.gather [spmem:s1], $0x80, s2, s6, $0xb8;
	[tilespmem:$0x1CC08] =	vst v63  }
0xf0: {  	_ =	swait.ge [sflag:s25], $0x2800  }
0xf1: {  	[sflag:s25] =	ssyncset.done $0x0  }
0xf2: {  	s13 =	simm.s32 $0x7C00;
	s17 =	rddreg [dreg:$0xe];
	[sflag:s25] =	ssyncadd.s32 $0xFFFFD800  }
0xf3: {  	[hbm4b:s17+s2] =	stream.linear.scatter [tilespmem:s13], [sflag:$0xE], $0x2800, $0x38;
	[tilespmem:$0x1CC08] =	vst v63  }
0xf4: {  	s5 =	simm.s32 $0x180;
	s18 =	rddreg [dreg:$0xf]  }
0xf5: {  	[tilespmem:s5], [sflag:$0x4] =	stream.linear.gather [hbm4b:s18+s2], $0x80, $0x38;
	[tilespmem:$0x1CC08] =	vst v63  }
0xf6: {  	_ =	swait.ge [sflag:s26], $0x2800  }
0xf7: {  	[sflag:s26] =	ssyncset.done $0x0  }
0xf8: {  	s19 =	simm.s32 $0x2;
	[sflag:s26] =	ssyncadd.s32 $0xFFFFD800  }
0xf9: {  	_ =	swait.ge [sflag:s19], $0x80  }
0xfa: {  	[sflag:s19] =	ssyncset.done $0x0  }
0xfb: {  	s8 =	simm.s32 $0x2C00;
	[sflag:s19] =	ssyncadd.s32 $0xFFFFFF80  }
0xfc: {  	[tilespmem:s8], [sflag:$0x7] =	stream.indirect.gather [spmem:s1], $0x80, s9, s6, $0xb8;
	[tilespmem:$0x1CC08] =	vst v63  }
0xfd: {  	_ =	swait.ge [sflag:s28], $0x2800  }
0xfe: {  	[sflag:s28] =	ssyncset.done $0x0  }
0xff: {  	s21 =	rddreg [dreg:$0x10];
	[sflag:s28] =	ssyncadd.s32 $0xFFFFD800  }
0x100: {  	[hbm4b:s21+s2] =	stream.linear.scatter [tilespmem:s14], [sflag:$0xF], $0x2800, $0x38;
	[tilespmem:$0x1CC08] =	vst v63  }
0x101: {  	s23 =	rddreg [dreg:$0x11]  }
0x102: {  	[tilespmem:s10], [sflag:$0x5] =	stream.linear.gather [hbm4b:s23+s2], $0x80, $0x38;
	[tilespmem:$0x1CC08] =	vst v63  }
0x103: {  	_ =	swait.ge [sflag:s12], $0x2800  }
0x104: {  	[sflag:s12] =	ssyncset.done $0x0  }
0x105: {  	s31 =	simm.s32 $0x3;
	[sflag:s12] =	ssyncadd.s32 $0xFFFFD800  }
0x106: {  	_ =	swait.ge [sflag:s31], $0x80  }
0x107: {  	[sflag:s31] =	ssyncset.done $0x0  }
0x108: {  	s3 =	simm.s32 $0x6;
	[sflag:s31] =	ssyncadd.s32 $0xFFFFFF80  }
0x109: {  	[tilespmem:s11], [sflag:$0x8] =	stream.indirect.gather [spmem:s1], $0x80, s7, s6, $0xb8;
	[tilespmem:$0x1CC08] =	vst v63  }
0x10a: {  	_ =	swait.ge [sflag:s3], $0x2800  }
0x10b: {  	[sflag:s3] =	ssyncset.done $0x0  }
0x10c: {  	s9 =	rddreg [dreg:$0x12];
	[sflag:s3] =	ssyncadd.s32 $0xFFFFD800  }
0x10d: {  	[hbm4b:s9+s2] =	stream.linear.scatter [tilespmem:s16], [sflag:$0xB], $0x2800, $0x38;
	[tilespmem:$0x1CC08] =	vst v63  }
0x10e: {  	_ =	swait.ge [sflag:s29], $0x2800  }
0x10f: {  	[sflag:s29] =	ssyncset.done $0x0  }
0x110: {  	s15 =	simm.s32 $0x4;
	[sflag:s29] =	ssyncadd.s32 $0xFFFFD800  }
0x111: {  	_ =	swait.ge [sflag:s15], $0x80  }
0x112: {  	[sflag:s15] =	ssyncset.done $0x0  }
0x113: {  	s16 =	simm.s32 $0x7;
	[sflag:s15] =	ssyncadd.s32 $0xFFFFFF80  }
0x114: {  	[tilespmem:s13], [sflag:$0x9] =	stream.indirect.gather [spmem:s1], $0x80, s5, s6, $0xb8;
	[tilespmem:$0x1CC08] =	vst v63  }
0x115: {  	_ =	swait.ge [sflag:s16], $0x2800  }
0x116: {  	[sflag:s16] =	ssyncset.done $0x0  }
0x117: {  	s17 =	rddreg [dreg:$0x13];
	[sflag:s16] =	ssyncadd.s32 $0xFFFFD800  }
0x118: {  	[hbm4b:s17+s2] =	stream.linear.scatter [tilespmem:s8], [sflag:$0xC], $0x2800, $0x38;
	[tilespmem:$0x1CC08] =	vst v63  }
0x119: {  	_ =	swait.ge [sflag:s30], $0x2800  }
0x11a: {  	[sflag:s30] =	ssyncset.done $0x0  }
0x11b: {  	[sflag:s30] =	ssyncadd.s32 $0xFFFFD800  }
0x11c: {  	_ =	swait.ge [sflag:s20], $0x80  }
0x11d: {  	[sflag:s20] =	ssyncset.done $0x0  }
0x11e: {  	[sflag:s20] =	ssyncadd.s32 $0xFFFFFF80  }
0x11f: {  	[tilespmem:s14], [sflag:$0xA] =	stream.indirect.gather [spmem:s1], $0x80, s10, s6, $0xb8;
	[tilespmem:$0x1CC08] =	vst v63  }
0x120: {  	_ =	swait.ge [sflag:s22], $0x2800  }
0x121: {  	[sflag:s22] =	ssyncset.done $0x0  }
0x122: {  	s18 =	rddreg [dreg:$0x14];
	[sflag:s22] =	ssyncadd.s32 $0xFFFFD800  }
0x123: {  	[hbm4b:s18+s2] =	stream.linear.scatter [tilespmem:s11], [sflag:$0xD], $0x2800, $0x38;
	[tilespmem:$0x1CC08] =	vst v63  }
0x124: {  	_ =	swait.ge [sflag:s25], $0x2800  }
0x125: {  	[sflag:s25] =	ssyncset.done $0x0  }
0x126: {  	s19 =	rddreg [dreg:$0x15];
	[sflag:s25] =	ssyncadd.s32 $0xFFFFD800  }
0x127: {  	[hbm4b:s19+s2] =	stream.linear.scatter [tilespmem:s13], [sflag:$0xE], $0x2800, $0x38;
	[tilespmem:$0x1CC08] =	vst v63  }
0x128: {  	_ =	swait.ge [sflag:s28], $0x2800  }
0x129: {  	[sflag:s28] =	ssyncset.done $0x0  }
0x12a: {  	s21 =	rddreg [dreg:$0x16];
	[sflag:s28] =	ssyncadd.s32 $0xFFFFD800  }
0x12b: {  	[hbm4b:s21+s2] =	stream.linear.scatter [tilespmem:s14], [sflag:$0xF], $0x2800, $0x38;
	[tilespmem:$0x1CC08] =	vst v63  }
0x12c: {  	_ =	swait.ge [sflag:s24], $0x2800  }
0x12d: {  	[sflag:s24] =	ssyncset.done $0x0  }
0x12e: {  	[sflag:s24] =	ssyncadd.s32 $0xFFFFD800  }
0x12f: {  	_ =	swait.ge [sflag:s26], $0x2800  }
0x130: {  	[sflag:s26] =	ssyncset.done $0x0  }
0x131: {  	[sflag:s26] =	ssyncadd.s32 $0xFFFFD800  }
0x132: {  	_ =	swait.ge [sflag:s12], $0x2800  }
0x133: {  	[sflag:s12] =	ssyncset.done $0x0  }
0x134: {  	[sflag:s12] =	ssyncadd.s32 $0xFFFFD800  }
0x135: {  	_ =	swait.ge [sflag:s29], $0x2800  }
0x136: {  	[sflag:s29] =	ssyncset.done $0x0  }
0x137: {  	[sflag:s29] =	ssyncadd.s32 $0xFFFFD800  }
0x138: {  	_ =	swait.ge [sflag:s30], $0x2800  }
0x139: {  	s23 =	sld [smem:$0x7FD];
	_ =	sdelay $0x2  }
0x13a: {  	s31 =	rddreg [dreg:$0x17];
	s3 =	sadd.s32 $0x1, s23  }
0x13b: {  	p1 =	sne.s32 s3, s31  }
.Ltmp1:
0x13c: {  	_ = 	snop;
	(pc) =	sbr.rel @p1 .LBB2_1-.Ltmp1, $3  }
0x13d: {  	_ =	sdelay $0x1  }
0x13e: {  	[sflag:s30] =	ssyncset.done $0x0  }
0x13f: {  	[sflag:s30] =	ssyncadd.s32 $0xFFFFD800  }
0x140: {  	_ =	sfence.sel $0x180000  }
0x141: {  	[bflag:$0x0] =	sbarrier.arrive $0xFFFF  }
0x142: {  	_ =	strace $0x90000047  }
0x143: {  	s0 =	stileid.u32;
	[bflag:$0x2] =	sbarrier.arrive $0xFFFF  }
0x144: {  	p0 =	sne.s32 s0, $0x0;
	s0 =	rddreg [dreg:$0x4]  }
0x145: {  	s0 =	sadd.s32 @!p0 $0x100000, s0  }
0x146: {  	[sflag:s0] =	ssyncadd.tile.s32 @!p0 $0x1;
	_ =	shalt  }
.Lfunc_end2:
_tile_overlayer_lowered:
.L_overlay_start_2:
0x147: {  	(tag) =	ssettag $0x2  }
0x148: {  	s0 =	rddreg [dreg:$0x0];
	s2 =	stileid.u32  }
0x149: {  	s1 =	rddreg [dreg:$0x1];
	p0 =	sne.s32 s2, $0x0  }
0x14a: {  	s3 =	rddreg [dreg:$0x2];
	[bflag:$0x3] =	sbarrier.arrive $0xFFFF;
	s2 =	simm.s32 @!p0 $0x1C10  }
0x14b: {  	[timem:s3], [sflag:s2] =	dma.local @!p0 [hbm:s0], s1  }
0x14c: {  	s0 =	simm.s32 @!p0 $0x10  }
0x14d: {  	_ =	swait.ge @!p0 [sflag:s0], s1  }
0x14e: {  	s1 =	ssub.s32 @!p0 $0x0, s1;
	[sflag:s0] =	ssyncset.done @!p0 $0x0  }
0x14f: {  	[sflag:s0] =	ssyncadd.s32 @!p0 s1  }
0x150: {  	[bflag:$0x3] =	sbarrier.arrive $0xFFFF  }
0x151: {  	_ =	shalt  }

</sc_bundles>
